<compile_context>
chip_gen: v7x
topology: tpu7x:2x2x1
jax: 0.10.2.dev20260603
libtpu: 0.0.44.dev20260713+nightly
codegen_flags: <defaults>
</compile_context>

<pallas_src>
import jax
import jax.numpy as jnp
from jax import lax
from jax.experimental import pallas as pl
from jax.experimental.pallas import tpu as pltpu
from jax.experimental.pallas import tpu_sc as plsc

DT = 0.02
EMB = 16
NLANE = 16

_O_ADP = 0
_O_EANG = 8
_O_BORDER = 16
_O_BO_AT = 24
_O_BO_RE = 32
_O_BO_BO = 40
_O_BO_DE = 48
_O_WI_ATTR = 64
_O_BI_ATTR = 80
_O_WO_ATTR = 96
_O_WI_REPU = 112
_O_BI_REPU = 128
_O_WO_REPU = 144
_O_WI_BOR = 160
_O_BI_BOR = 176
_O_WO_BOR = 192
_O_WI_DEL = 208
_O_BI_DEL = 224
_O_WO_DEL = 240
_PWORDS = 256


def _const16(c):
    return jnp.full((NLANE,), c, jnp.int32)


def _rsqrt_nr(x):
    xs = jnp.maximum(x, 1e-30)
    i = lax.bitcast_convert_type(xs, jnp.int32)
    i = jnp.int32(0x5F3759DF) - (i >> 1)
    y = lax.bitcast_convert_type(i, jnp.float32)
    for _ in range(3):
        y = y * (1.5 - 0.5 * xs * y * y)
    return y, xs


def _sc_body(ego_hbm, nei_hbm, adp, eang, bord,
             bo_at, bo_re, bo_bo, bo_de,
             wi_at, bi_at, wo_at, wi_re, bi_re, wo_re,
             wi_bo, bi_bo, wo_bo, wi_de, bi_de, wo_de,
             out_hbm, ego_v, nei_v, pp_v, scr_v, out_v, sem):
    info = plsc.get_sparse_core_info()
    wid = lax.axis_index("s") * info.num_cores + lax.axis_index("c")

    srcs = (adp, eang, bord, bo_at, bo_re, bo_bo, bo_de,
            wi_at, bi_at, wo_at, wi_re, bi_re, wo_re,
            wi_bo, bi_bo, wo_bo, wi_de, bi_de, wo_de)
    offs = (_O_ADP, _O_EANG, _O_BORDER, _O_BO_AT, _O_BO_RE, _O_BO_BO,
            _O_BO_DE, _O_WI_ATTR, _O_BI_ATTR, _O_WO_ATTR, _O_WI_REPU,
            _O_BI_REPU, _O_WO_REPU, _O_WI_BOR, _O_BI_BOR, _O_WO_BOR,
            _O_WI_DEL, _O_BI_DEL, _O_WO_DEL)
    sizes = (2, 1, 4, 1, 1, 1, 1) + (NLANE,) * 12
    copies = [pltpu.async_copy(ego_hbm.at[wid], ego_v, sem),
              pltpu.async_copy(nei_hbm.at[wid], nei_v, sem)]
    for s, off, n in zip(srcs, offs, sizes):
        copies.append(pltpu.async_copy(s, pp_v.at[pl.ds(off, n)], sem))
    for c in copies:
        c.wait()

    def bc(ref, c):
        return plsc.load_gather(ref, [_const16(c)])

    li = lax.iota(jnp.int32, NLANE)
    lane_lo = li < 8

    px = bc(ego_v, 1)
    py = bc(ego_v, 2)
    tvx = bc(ego_v, 3)
    tvy = bc(ego_v, 4)
    p0 = bc(pp_v, _O_ADP + 0)
    p1 = bc(pp_v, _O_ADP + 1)
    ea = bc(pp_v, _O_EANG)
    b_first = bc(pp_v, _O_BORDER + 0)
    b_last = bc(pp_v, _O_BORDER + 3)
    bo_attr = bc(pp_v, _O_BO_AT)
    bo_repu = bc(pp_v, _O_BO_RE)
    bo_bor = bc(pp_v, _O_BO_BO)
    bo_del = bc(pp_v, _O_BO_DE)

    nbase = jnp.bitwise_and(li, 7) * NLANE

    def nfield(f):
        return plsc.load_gather(nei_v, [nbase + f])

    ids = jnp.where(lane_lo, nfield(0), 0.0)
    match = ids != ids
    for m in range(8):
        match = jnp.logical_or(match, ids == bc(ego_v, 7 + m))
    match = jnp.logical_and(match, ids != 0.0)

    rx = jnp.where(match, nfield(1) - px, 0.0)
    ry = jnp.where(match, nfield(2) - py, 0.0)
    vx = jnp.where(lane_lo, nfield(3), 0.0)
    vy = jnp.where(lane_lo, nfield(4), 0.0)

    sq = rx * rx + ry * ry
    y1, xs1 = _rsqrt_nr(jnp.where(lane_lo, sq, 1.0))
    r_norm = jnp.where(lane_lo, xs1 * y1, 0.0)
    ux = rx * y1
    uy = ry * y1

    tn2raw = tvx * tvx + tvy * tvy
    yv, xv = _rsqrt_nr(tn2raw)
    dvn = xv * yv
    tn2c = jnp.maximum(tn2raw, 1e-16)

    rx2 = rx + vx * DT
    ry2 = ry + vy * DT
    barg = r_norm + (rx2 * rx2 + ry2 * ry2) - (DT * DT) * (vx * vx + vy * vy)
    y2, xs2 = _rsqrt_nr(jnp.maximum(barg, 1e-12))
    bval = xs2 * y2 * 0.5

    scr_v[pl.ds(0, NLANE)] = bval
    bshift = plsc.load_gather(scr_v, [jnp.bitwise_and(li, 7)])
    x_a = jnp.where(lane_lo, r_norm, bshift)

    rb0 = py - b_first
    rb1 = py - b_last
    x_b = jnp.where(li == 0, jnp.abs(rb0),
                    jnp.where(li == 1, jnp.abs(rb1),
                              jnp.where(li == 2, 1.0, 0.0)))

    wi_a = jnp.where(lane_lo, _O_WI_ATTR, _O_WI_REPU)
    bi_a = jnp.where(lane_lo, _O_BI_ATTR, _O_BI_REPU)
    wo_a = jnp.where(lane_lo, _O_WO_ATTR, _O_WO_REPU)
    wi_b = jnp.where(li == 2, _O_WI_DEL, _O_WI_BOR)
    bi_b = jnp.where(li == 2, _O_BI_DEL, _O_BI_BOR)
    wo_b = jnp.where(li == 2, _O_WO_DEL, _O_WO_BOR)

    def pg(base, j):
        return plsc.load_gather(pp_v, [base + j])

    acc_a = jnp.zeros((NLANE,), jnp.float32)
    acc_b = jnp.zeros((NLANE,), jnp.float32)
    for j in range(EMB):
        acc_a = acc_a + pg(wo_a, j) * jnp.exp(-(x_a * pg(wi_a, j) + pg(bi_a, j)))
        acc_b = acc_b + pg(wo_b, j) * jnp.exp(-(x_b * pg(wi_b, j) + pg(bi_b, j)))
    mono_a = acc_a + jnp.where(lane_lo, bo_attr, bo_repu)
    mono_b = acc_b + jnp.where(li == 2, bo_del, bo_bor)

    scr_v[pl.ds(NLANE, NLANE)] = mono_a
    m_repu = plsc.load_gather(scr_v, [NLANE + jnp.bitwise_or(li, 8)])

    sgn = jnp.where(li == 0, jnp.sign(rb0),
                    jnp.where(li == 1, jnp.sign(rb1), 1.0))
    msgn = mono_b * sgn
    scr_v[pl.ds(2 * NLANE, NLANE)] = msgn
    cdel = bc(scr_v, 2 * NLANE + 2)
    mb0 = bc(scr_v, 2 * NLANE + 0)
    mb1 = bc(scr_v, 2 * NLANE + 1)

    ax = cdel * mono_a * ux
    ay = cdel * mono_a * uy
    gx = m_repu * ux
    gy = m_repu * uy

    ea2tn2 = ea * ea * tn2c

    def keep(fx, fy):
        dot = tvx * fx + tvy * fy
        vn2 = jnp.maximum(fx * fx + fy * fy, 1e-16)
        return dot * dot > ea2tn2 * vn2

    k_a = keep(ax, ay)
    k_r = keep(gx, gy)
    fnx = jnp.sum(jnp.where(k_a, ax, 0.0) + jnp.where(k_r, gx, 0.0))
    fny = jnp.sum(jnp.where(k_a, ay, 0.0) + jnp.where(k_r, gy, 0.0))

    fd_x = (p1 * dvn - tvx) / p0
    fd_y = (0.0 - tvy) / p0
    sm_x = jnp.where(li == 0, fd_x, 0.0)
    sm_y = jnp.where(li == 0, fd_y,
                     jnp.where(li == 1, mb0,
                               jnp.where(li == 2, mb1, 0.0)))
    k_sm = jnp.logical_and(keep(sm_x, sm_y), li < 3)
    is0 = jnp.logical_and(k_sm, li == 0)
    o0 = jnp.sum(jnp.where(is0, sm_x, 0.0))
    o1 = jnp.sum(jnp.where(is0, sm_y, 0.0))
    o5 = jnp.sum(jnp.where(jnp.logical_and(k_sm, li >= 1), sm_y, 0.0))

    out_vec = jnp.where(li == 0, o0,
                        jnp.where(li == 1, o1,
                                  jnp.where(li == 2, fnx,
                                            jnp.where(li == 3, fny,
                                                      jnp.where(li == 5, o5,
                                                                0.0)))))
    out_v[...] = out_vec
    pltpu.sync_copy(out_v, out_hbm.at[wid])


@jax.jit
def _sfm_sc(ego, nei2, *pvecs):
    f32 = jnp.float32
    mesh = plsc.VectorSubcoreMesh(core_axis_name="c", subcore_axis_name="s")
    return pl.kernel(
        _sc_body,
        out_type=jax.ShapeDtypeStruct((32, NLANE), f32),
        mesh=mesh,
        compiler_params=pltpu.CompilerParams(needs_layout_passes=False),
        scratch_types=[
            pltpu.VMEM((NLANE,), f32),
            pltpu.VMEM((8 * NLANE,), f32),
            pltpu.VMEM((_PWORDS,), f32),
            pltpu.VMEM((4 * NLANE,), f32),
            pltpu.VMEM((NLANE,), f32),
            pltpu.SemaphoreType.DMA,
        ],
    )(ego, nei2, *pvecs)


def kernel(ego, nei, border, params):
    f32 = jnp.float32
    pvecs = [params['attr_destination_para'].astype(f32),
             params['effective_angle'].astype(f32),
             border.astype(f32),
             params['attr_nei_bo'].astype(f32),
             params['repu_nei_bo'].astype(f32),
             params['repu_bor_bo'].astype(f32),
             params['delation_bo'].astype(f32)]
    for n in ('attr_nei', 'repu_nei', 'repu_bor', 'delation'):
        pvecs += [params[n + '_Wi'][:, 0].astype(f32),
                  params[n + '_bi'].astype(f32),
                  params[n + '_Wo'][0].astype(f32)]
    out = _sfm_sc(ego.astype(f32), nei.reshape(nei.shape[0], -1).astype(f32),
                  *pvecs)
    return out[:, 0:2], out[:, 2:4], out[:, 4:6]

# --- scband reference (transcript-rebuilt; emitter-appended) ---
"""Pipeline reference for scband-sfm-43258910605610 (READ-ONLY COPY).

The authoritative reference and input builder live on the scoring server;
editing this copy changes nothing except your own understanding.
"""

import jax, jax.numpy as jnp
import numpy as np

DT = 0.02
EMB = 16


def _update_recording(nei_np, K):
    B = nei_np.shape[0]
    rec = np.zeros((B, K, 2), dtype=np.float32)
    for i in range(B):
        ids = nei_np[i, :, 0]
        ifin = np.isin(rec[i, :, 0], ids)
        rec[i, ifin, 1] += 1
        remain = rec[i, ifin]
        ifnew = (~np.isin(ids, rec[i, :, 0])) & (ids != 0)
        new_m = np.stack((ids[ifnew], np.ones(int(ifnew.sum()), dtype=np.float32)), axis=1)
        pad = np.ones((K - len(remain) - len(new_m), 2), dtype=np.float32)
        rec[i] = np.concatenate((remain, new_m, pad), axis=0)
    return rec


def _mono(x, params, pref):
    h = jnp.exp(-(x @ params[pref + '_Wi'].T + params[pref + '_bi']))
    return h @ params[pref + '_Wo'].T + params[pref + '_bo']


def _forward(ego, nei, border, params, rec):
    B = ego.shape[0]
    # attr_destination (desired_velocity=None branch)
    dv = jnp.stack((jnp.linalg.norm(ego[:, 3:5], axis=-1), jnp.zeros(B, dtype=ego.dtype)), axis=1)
    p = params['attr_destination_para']
    f_dest = ((p[1] * dv - ego[:, 3:5]) / p[0])[:, None, :]
    # attr_repu_neighbors
    idx = (nei[:, :, 0][..., None] == ego[:, None, 7:15]).any(-1) & (nei[:, :, 0] != 0)
    r = nei[:, :, 1:3] - ego[:, None, 1:3]
    r = jnp.where(idx[..., None], r, 0.0)
    r_norm = jnp.linalg.norm(r, axis=-1, keepdims=True)
    safe = jnp.where(r_norm > 0, r_norm, 1.0)
    f_attr = _mono(rec[:, :, 1:2], params, 'delation') * _mono(r_norm, params, 'attr_nei') * r / safe
    v = nei[:, :, 3:5]
    b = r_norm + jnp.linalg.norm(r + v * DT, axis=-1, keepdims=True) ** 2 - jnp.linalg.norm(v * DT, axis=-1, keepdims=True) ** 2
    b = jnp.sqrt(jnp.clip(b, 1e-12)) / 2.0
    f_repu = _mono(b, params, 'repu_nei') * r / safe
    f_attr = jnp.where(idx[..., None], f_attr, 0.0)
    f_repu = jnp.where(idx[..., None], f_repu, 0.0)
    # repu_borders (select_lane = [0, -1])
    d = ego[:, 2][:, None] - border[None, :]
    rb = jnp.stack((d[:, 0], d[:, -1]), axis=1)
    rbn = jnp.abs(rb)
    fb = _mono(rbn[..., None], params, 'repu_bor') * (rb / rbn)[..., None]
    fb = jnp.concatenate((jnp.zeros_like(fb), fb), axis=-1)
    # angle_clamp with ego velocity as the direction target
    tvel = ego[:, 3:5]
    ea = params['effective_angle'][0]

    def angle_clamp(vec):
        tn = jnp.clip(jnp.linalg.norm(tvel, axis=-1), 1e-8)[:, None]
        vn = jnp.clip(jnp.linalg.norm(vec, axis=-1), 1e-8)
        cos = jnp.sum(tvel[:, None, :] * vec, axis=-1) / (tn * vn)
        mask = jnp.abs(cos) > ea
        return jnp.where(mask[..., None], vec, 0.0)

    f_destination = angle_clamp(f_dest).sum(1)
    f_neighbors = angle_clamp(f_attr).sum(1) + angle_clamp(f_repu).sum(1)
    f_border = angle_clamp(fb).sum(1)
    return (f_destination, f_neighbors, f_border)


def setup_inputs(seed: int = 0):
    key = jax.random.key(seed)
    ks = jax.random.split(key, 12)
    B, K = 32, 8
    ego = jax.random.normal(ks[0], (B, 16), dtype=jnp.float32)
    nei = jax.random.normal(ks[1], (B, K, 16), dtype=jnp.float32)
    nei_ids = jax.random.randint(ks[2], (B, K), 1, 1000).astype(jnp.float32)
    nei = nei.at[:, :, 0].set(nei_ids)
    ego = ego.at[:, 0].set(jnp.arange(1, B + 1, dtype=jnp.float32) * 10000.0)
    ego = ego.at[:, 7:15].set(nei_ids)
    border = jnp.array([0.0, 3.7, 7.4, 11.1], dtype=jnp.float32) + 0.1 * jax.random.normal(ks[3], (4,), dtype=jnp.float32)
    params = {}
    params['attr_destination_para'] = jax.random.uniform(ks[4], (2,), minval=0.3, maxval=1.0, dtype=jnp.float32)
    params['effective_angle'] = jax.nn.sigmoid(jax.random.uniform(ks[5], (1,), dtype=jnp.float32))
    names = ['repu_nei', 'attr_nei', 'repu_bor', 'delation']
    for j, n in enumerate(names):
        k0, k1, k2, k3 = jax.random.split(ks[6 + j], 4)
        params[n + '_Wi'] = jax.random.uniform(k0, (EMB, 1), minval=0.0, maxval=1.0, dtype=jnp.float32)
        params[n + '_bi'] = jax.random.uniform(k1, (EMB,), minval=-0.5, maxval=0.5, dtype=jnp.float32)
        params[n + '_Wo'] = jax.random.uniform(k2, (1, EMB), minval=0.0, maxval=0.25, dtype=jnp.float32)
        params[n + '_bo'] = jax.random.uniform(k3, (1,), minval=-0.25, maxval=0.25, dtype=jnp.float32)
    return {'ego': ego, 'nei': nei, 'border': border, 'params': params}


def reference(ego, nei, border, params):
    B, K = nei.shape[0], nei.shape[1]
    ids = nei[:, :, 0]
    mask = ids != 0
    order = jnp.argsort(jnp.where(mask, 0, 1), axis=1, stable=True)
    ids_sorted = jnp.take_along_axis(ids, order, axis=1)
    mask_sorted = jnp.take_along_axis(mask, order, axis=1)
    col0 = jnp.where(mask_sorted, ids_sorted, 1.0)
    rec = jnp.stack((col0, jnp.ones((B, K), dtype=jnp.float32)), axis=-1)
    return _forward(ego, nei, border, params, rec)

if __name__ == "__main__":
    import jax
    _d = setup_inputs()
    print(jax.jit(kernel)(*tuple(_d.values())))

</pallas_src>

<mosaic_0001>
#map = affine_map<(d0, d1) -> (0, 0)>
#map1 = affine_map<(d0, d1) -> (0)>
module attributes {stable_mosaic.version = 14 : i64} {
  func.func @_sc_body(%arg0: i32, %arg1: i32, %arg2: memref<32x16xf32, #tpu.memory_space<hbm>>, %arg3: memref<32x128xf32, #tpu.memory_space<hbm>>, %arg4: memref<2xf32, #tpu.memory_space<hbm>>, %arg5: memref<1xf32, #tpu.memory_space<hbm>>, %arg6: memref<4xf32, #tpu.memory_space<hbm>>, %arg7: memref<1xf32, #tpu.memory_space<hbm>>, %arg8: memref<1xf32, #tpu.memory_space<hbm>>, %arg9: memref<1xf32, #tpu.memory_space<hbm>>, %arg10: memref<1xf32, #tpu.memory_space<hbm>>, %arg11: memref<16xf32, #tpu.memory_space<hbm>>, %arg12: memref<16xf32, #tpu.memory_space<hbm>>, %arg13: memref<16xf32, #tpu.memory_space<hbm>>, %arg14: memref<16xf32, #tpu.memory_space<hbm>>, %arg15: memref<16xf32, #tpu.memory_space<hbm>>, %arg16: memref<16xf32, #tpu.memory_space<hbm>>, %arg17: memref<16xf32, #tpu.memory_space<hbm>>, %arg18: memref<16xf32, #tpu.memory_space<hbm>>, %arg19: memref<16xf32, #tpu.memory_space<hbm>>, %arg20: memref<16xf32, #tpu.memory_space<hbm>>, %arg21: memref<16xf32, #tpu.memory_space<hbm>>, %arg22: memref<16xf32, #tpu.memory_space<hbm>>, %arg23: memref<32x16xf32, #tpu.memory_space<hbm>>, %arg24: memref<16xf32, #tpu.memory_space<vmem>>, %arg25: memref<128xf32, #tpu.memory_space<vmem>>, %arg26: memref<256xf32, #tpu.memory_space<vmem>>, %arg27: memref<64xf32, #tpu.memory_space<vmem>>, %arg28: memref<16xf32, #tpu.memory_space<vmem>>, %arg29: memref<!tpu.dma_semaphore, #tpu.memory_space<semaphore_mem>>) attributes {dimension_semantics = [#tpu.dimension_semantics<core_parallel>, #tpu.dimension_semantics<subcore_parallel>], iteration_bounds = array<i64: 2, 16>, scalar_prefetch = 0 : i64, scratch_operands = 6 : i64, tpu.core_type = #tpu.core_type<sc_vector_subcore>, window_params = [{transform_indices = #map}, {transform_indices = #map}, {transform_indices = #map1}, {transform_indices = #map1}, {transform_indices = #map1}, {transform_indices = #map1}, {transform_indices = #map1}, {transform_indices = #map1}, {transform_indices = #map1}, {transform_indices = #map1}, {transform_indices = #map1}, {transform_indices = #map1}, {transform_indices = #map1}, {transform_indices = #map1}, {transform_indices = #map1}, {transform_indices = #map1}, {transform_indices = #map1}, {transform_indices = #map1}, {transform_indices = #map1}, {transform_indices = #map1}, {transform_indices = #map1}, {transform_indices = #map}]} {
    %mul3A = arith.constant 2 : i32
    %mul3A_0 = arith.muli %arg1, %mul3A : i32
    %add3A = arith.addi %mul3A_0, %arg0 : i32
    %dma_start3A = arith.constant 0 : i32
    %dma_start3A_1 = tpu.memref_slice %arg2[%add3A, %dma_start3A] : memref<32x16xf32, #tpu.memory_space<hbm>> -> memref<1x16xf32, #tpu.memory_space<hbm>>
    %dma_start3A_2 = tpu.memref_squeeze %dma_start3A_1 : memref<1x16xf32, #tpu.memory_space<hbm>> -> memref<16xf32, #tpu.memory_space<hbm>>
    %dma_start3A_3 = arith.constant 0 : i32
    %dma_start3A_4 = tpu.memref_slice %arg2[%add3A, %dma_start3A_3] : memref<32x16xf32, #tpu.memory_space<hbm>> -> memref<1x16xf32, #tpu.memory_space<hbm>>
    %dma_start3A_5 = tpu.memref_squeeze %dma_start3A_4 : memref<1x16xf32, #tpu.memory_space<hbm>> -> memref<16xf32, #tpu.memory_space<hbm>>
    tpu.enqueue_dma source(%dma_start3A_5 : memref<16xf32, #tpu.memory_space<hbm>>) target(%arg24 : memref<16xf32, #tpu.memory_space<vmem>>) target_semaphore(%arg29 : memref<!tpu.dma_semaphore, #tpu.memory_space<semaphore_mem>>)
    %dma_start3A_6 = arith.constant 0 : i32
    %dma_start3A_7 = tpu.memref_slice %arg3[%add3A, %dma_start3A_6] : memref<32x128xf32, #tpu.memory_space<hbm>> -> memref<1x128xf32, #tpu.memory_space<hbm>>
    %dma_start3A_8 = tpu.memref_squeeze %dma_start3A_7 : memref<1x128xf32, #tpu.memory_space<hbm>> -> memref<128xf32, #tpu.memory_space<hbm>>
    %dma_start3A_9 = arith.constant 0 : i32
    %dma_start3A_10 = tpu.memref_slice %arg3[%add3A, %dma_start3A_9] : memref<32x128xf32, #tpu.memory_space<hbm>> -> memref<1x128xf32, #tpu.memory_space<hbm>>
    %dma_start3A_11 = tpu.memref_squeeze %dma_start3A_10 : memref<1x128xf32, #tpu.memory_space<hbm>> -> memref<128xf32, #tpu.memory_space<hbm>>
    tpu.enqueue_dma source(%dma_start3A_11 : memref<128xf32, #tpu.memory_space<hbm>>) target(%arg25 : memref<128xf32, #tpu.memory_space<vmem>>) target_semaphore(%arg29 : memref<!tpu.dma_semaphore, #tpu.memory_space<semaphore_mem>>)
    %dma_start3A_12 = arith.constant 0 : i32
    %dma_start3A_13 = tpu.memref_slice %arg26[%dma_start3A_12] : memref<256xf32, #tpu.memory_space<vmem>> -> memref<2xf32, #tpu.memory_space<vmem>>
    %dma_start3A_14 = arith.constant 0 : i32
    %dma_start3A_15 = tpu.memref_slice %arg26[%dma_start3A_14] : memref<256xf32, #tpu.memory_space<vmem>> -> memref<2xf32, #tpu.memory_space<vmem>>
    tpu.enqueue_dma source(%arg4 : memref<2xf32, #tpu.memory_space<hbm>>) target(%dma_start3A_15 : memref<2xf32, #tpu.memory_space<vmem>>) target_semaphore(%arg29 : memref<!tpu.dma_semaphore, #tpu.memory_space<semaphore_mem>>)
    %dma_start3A_16 = arith.constant 8 : i32
    %dma_start3A_17 = tpu.memref_slice %arg26[%dma_start3A_16] : memref<256xf32, #tpu.memory_space<vmem>> -> memref<1xf32, #tpu.memory_space<vmem>>
    %dma_start3A_18 = arith.constant 8 : i32
    %dma_start3A_19 = tpu.memref_slice %arg26[%dma_start3A_18] : memref<256xf32, #tpu.memory_space<vmem>> -> memref<1xf32, #tpu.memory_space<vmem>>
    tpu.enqueue_dma source(%arg5 : memref<1xf32, #tpu.memory_space<hbm>>) target(%dma_start3A_19 : memref<1xf32, #tpu.memory_space<vmem>>) target_semaphore(%arg29 : memref<!tpu.dma_semaphore, #tpu.memory_space<semaphore_mem>>)
    %dma_start3A_20 = arith.constant 16 : i32
    %dma_start3A_21 = tpu.memref_slice %arg26[%dma_start3A_20] : memref<256xf32, #tpu.memory_space<vmem>> -> memref<4xf32, #tpu.memory_space<vmem>>
    %dma_start3A_22 = arith.constant 16 : i32
    %dma_start3A_23 = tpu.memref_slice %arg26[%dma_start3A_22] : memref<256xf32, #tpu.memory_space<vmem>> -> memref<4xf32, #tpu.memory_space<vmem>>
    tpu.enqueue_dma source(%arg6 : memref<4xf32, #tpu.memory_space<hbm>>) target(%dma_start3A_23 : memref<4xf32, #tpu.memory_space<vmem>>) target_semaphore(%arg29 : memref<!tpu.dma_semaphore, #tpu.memory_space<semaphore_mem>>)
    %dma_start3A_24 = arith.constant 24 : i32
    %dma_start3A_25 = tpu.memref_slice %arg26[%dma_start3A_24] : memref<256xf32, #tpu.memory_space<vmem>> -> memref<1xf32, #tpu.memory_space<vmem>>
    %dma_start3A_26 = arith.constant 24 : i32
    %dma_start3A_27 = tpu.memref_slice %arg26[%dma_start3A_26] : memref<256xf32, #tpu.memory_space<vmem>> -> memref<1xf32, #tpu.memory_space<vmem>>
    tpu.enqueue_dma source(%arg7 : memref<1xf32, #tpu.memory_space<hbm>>) target(%dma_start3A_27 : memref<1xf32, #tpu.memory_space<vmem>>) target_semaphore(%arg29 : memref<!tpu.dma_semaphore, #tpu.memory_space<semaphore_mem>>)
    %dma_start3A_28 = arith.constant 32 : i32
    %dma_start3A_29 = tpu.memref_slice %arg26[%dma_start3A_28] : memref<256xf32, #tpu.memory_space<vmem>> -> memref<1xf32, #tpu.memory_space<vmem>>
    %dma_start3A_30 = arith.constant 32 : i32
    %dma_start3A_31 = tpu.memref_slice %arg26[%dma_start3A_30] : memref<256xf32, #tpu.memory_space<vmem>> -> memref<1xf32, #tpu.memory_space<vmem>>
    tpu.enqueue_dma source(%arg8 : memref<1xf32, #tpu.memory_space<hbm>>) target(%dma_start3A_31 : memref<1xf32, #tpu.memory_space<vmem>>) target_semaphore(%arg29 : memref<!tpu.dma_semaphore, #tpu.memory_space<semaphore_mem>>)
    %dma_start3A_32 = arith.constant 40 : i32
    %dma_start3A_33 = tpu.memref_slice %arg26[%dma_start3A_32] : memref<256xf32, #tpu.memory_space<vmem>> -> memref<1xf32, #tpu.memory_space<vmem>>
    %dma_start3A_34 = arith.constant 40 : i32
    %dma_start3A_35 = tpu.memref_slice %arg26[%dma_start3A_34] : memref<256xf32, #tpu.memory_space<vmem>> -> memref<1xf32, #tpu.memory_space<vmem>>
    tpu.enqueue_dma source(%arg9 : memref<1xf32, #tpu.memory_space<hbm>>) target(%dma_start3A_35 : memref<1xf32, #tpu.memory_space<vmem>>) target_semaphore(%arg29 : memref<!tpu.dma_semaphore, #tpu.memory_space<semaphore_mem>>)
    %dma_start3A_36 = arith.constant 48 : i32
    %dma_start3A_37 = tpu.memref_slice %arg26[%dma_start3A_36] : memref<256xf32, #tpu.memory_space<vmem>> -> memref<1xf32, #tpu.memory_space<vmem>>
    %dma_start3A_38 = arith.constant 48 : i32
    %dma_start3A_39 = tpu.memref_slice %arg26[%dma_start3A_38] : memref<256xf32, #tpu.memory_space<vmem>> -> memref<1xf32, #tpu.memory_space<vmem>>
    tpu.enqueue_dma source(%arg10 : memref<1xf32, #tpu.memory_space<hbm>>) target(%dma_start3A_39 : memref<1xf32, #tpu.memory_space<vmem>>) target_semaphore(%arg29 : memref<!tpu.dma_semaphore, #tpu.memory_space<semaphore_mem>>)
    %dma_start3A_40 = arith.constant 64 : i32
    %dma_start3A_41 = tpu.memref_slice %arg26[%dma_start3A_40] : memref<256xf32, #tpu.memory_space<vmem>> -> memref<16xf32, #tpu.memory_space<vmem>>
    %dma_start3A_42 = arith.constant 64 : i32
    %dma_start3A_43 = tpu.memref_slice %arg26[%dma_start3A_42] : memref<256xf32, #tpu.memory_space<vmem>> -> memref<16xf32, #tpu.memory_space<vmem>>
    tpu.enqueue_dma source(%arg11 : memref<16xf32, #tpu.memory_space<hbm>>) target(%dma_start3A_43 : memref<16xf32, #tpu.memory_space<vmem>>) target_semaphore(%arg29 : memref<!tpu.dma_semaphore, #tpu.memory_space<semaphore_mem>>)
    %dma_start3A_44 = arith.constant 80 : i32
    %dma_start3A_45 = tpu.memref_slice %arg26[%dma_start3A_44] : memref<256xf32, #tpu.memory_space<vmem>> -> memref<16xf32, #tpu.memory_space<vmem>>
    %dma_start3A_46 = arith.constant 80 : i32
    %dma_start3A_47 = tpu.memref_slice %arg26[%dma_start3A_46] : memref<256xf32, #tpu.memory_space<vmem>> -> memref<16xf32, #tpu.memory_space<vmem>>
    tpu.enqueue_dma source(%arg12 : memref<16xf32, #tpu.memory_space<hbm>>) target(%dma_start3A_47 : memref<16xf32, #tpu.memory_space<vmem>>) target_semaphore(%arg29 : memref<!tpu.dma_semaphore, #tpu.memory_space<semaphore_mem>>)
    %dma_start3A_48 = arith.constant 96 : i32
    %dma_start3A_49 = tpu.memref_slice %arg26[%dma_start3A_48] : memref<256xf32, #tpu.memory_space<vmem>> -> memref<16xf32, #tpu.memory_space<vmem>>
    %dma_start3A_50 = arith.constant 96 : i32
    %dma_start3A_51 = tpu.memref_slice %arg26[%dma_start3A_50] : memref<256xf32, #tpu.memory_space<vmem>> -> memref<16xf32, #tpu.memory_space<vmem>>
    tpu.enqueue_dma source(%arg13 : memref<16xf32, #tpu.memory_space<hbm>>) target(%dma_start3A_51 : memref<16xf32, #tpu.memory_space<vmem>>) target_semaphore(%arg29 : memref<!tpu.dma_semaphore, #tpu.memory_space<semaphore_mem>>)
    %dma_start3A_52 = arith.constant 112 : i32
    %dma_start3A_53 = tpu.memref_slice %arg26[%dma_start3A_52] : memref<256xf32, #tpu.memory_space<vmem>> -> memref<16xf32, #tpu.memory_space<vmem>>
    %dma_start3A_54 = arith.constant 112 : i32
    %dma_start3A_55 = tpu.memref_slice %arg26[%dma_start3A_54] : memref<256xf32, #tpu.memory_space<vmem>> -> memref<16xf32, #tpu.memory_space<vmem>>
    tpu.enqueue_dma source(%arg14 : memref<16xf32, #tpu.memory_space<hbm>>) target(%dma_start3A_55 : memref<16xf32, #tpu.memory_space<vmem>>) target_semaphore(%arg29 : memref<!tpu.dma_semaphore, #tpu.memory_space<semaphore_mem>>)
    %dma_start3A_56 = arith.constant 128 : i32
    %dma_start3A_57 = tpu.memref_slice %arg26[%dma_start3A_56] : memref<256xf32, #tpu.memory_space<vmem>> -> memref<16xf32, #tpu.memory_space<vmem>>
    %dma_start3A_58 = arith.constant 128 : i32
    %dma_start3A_59 = tpu.memref_slice %arg26[%dma_start3A_58] : memref<256xf32, #tpu.memory_space<vmem>> -> memref<16xf32, #tpu.memory_space<vmem>>
    tpu.enqueue_dma source(%arg15 : memref<16xf32, #tpu.memory_space<hbm>>) target(%dma_start3A_59 : memref<16xf32, #tpu.memory_space<vmem>>) target_semaphore(%arg29 : memref<!tpu.dma_semaphore, #tpu.memory_space<semaphore_mem>>)
    %dma_start3A_60 = arith.constant 144 : i32
    %dma_start3A_61 = tpu.memref_slice %arg26[%dma_start3A_60] : memref<256xf32, #tpu.memory_space<vmem>> -> memref<16xf32, #tpu.memory_space<vmem>>
    %dma_start3A_62 = arith.constant 144 : i32
    %dma_start3A_63 = tpu.memref_slice %arg26[%dma_start3A_62] : memref<256xf32, #tpu.memory_space<vmem>> -> memref<16xf32, #tpu.memory_space<vmem>>
    tpu.enqueue_dma source(%arg16 : memref<16xf32, #tpu.memory_space<hbm>>) target(%dma_start3A_63 : memref<16xf32, #tpu.memory_space<vmem>>) target_semaphore(%arg29 : memref<!tpu.dma_semaphore, #tpu.memory_space<semaphore_mem>>)
    %dma_start3A_64 = arith.constant 160 : i32
    %dma_start3A_65 = tpu.memref_slice %arg26[%dma_start3A_64] : memref<256xf32, #tpu.memory_space<vmem>> -> memref<16xf32, #tpu.memory_space<vmem>>
    %dma_start3A_66 = arith.constant 160 : i32
    %dma_start3A_67 = tpu.memref_slice %arg26[%dma_start3A_66] : memref<256xf32, #tpu.memory_space<vmem>> -> memref<16xf32, #tpu.memory_space<vmem>>
    tpu.enqueue_dma source(%arg17 : memref<16xf32, #tpu.memory_space<hbm>>) target(%dma_start3A_67 : memref<16xf32, #tpu.memory_space<vmem>>) target_semaphore(%arg29 : memref<!tpu.dma_semaphore, #tpu.memory_space<semaphore_mem>>)
    %dma_start3A_68 = arith.constant 176 : i32
    %dma_start3A_69 = tpu.memref_slice %arg26[%dma_start3A_68] : memref<256xf32, #tpu.memory_space<vmem>> -> memref<16xf32, #tpu.memory_space<vmem>>
    %dma_start3A_70 = arith.constant 176 : i32
    %dma_start3A_71 = tpu.memref_slice %arg26[%dma_start3A_70] : memref<256xf32, #tpu.memory_space<vmem>> -> memref<16xf32, #tpu.memory_space<vmem>>
    tpu.enqueue_dma source(%arg18 : memref<16xf32, #tpu.memory_space<hbm>>) target(%dma_start3A_71 : memref<16xf32, #tpu.memory_space<vmem>>) target_semaphore(%arg29 : memref<!tpu.dma_semaphore, #tpu.memory_space<semaphore_mem>>)
    %dma_start3A_72 = arith.constant 192 : i32
    %dma_start3A_73 = tpu.memref_slice %arg26[%dma_start3A_72] : memref<256xf32, #tpu.memory_space<vmem>> -> memref<16xf32, #tpu.memory_space<vmem>>
    %dma_start3A_74 = arith.constant 192 : i32
    %dma_start3A_75 = tpu.memref_slice %arg26[%dma_start3A_74] : memref<256xf32, #tpu.memory_space<vmem>> -> memref<16xf32, #tpu.memory_space<vmem>>
    tpu.enqueue_dma source(%arg19 : memref<16xf32, #tpu.memory_space<hbm>>) target(%dma_start3A_75 : memref<16xf32, #tpu.memory_space<vmem>>) target_semaphore(%arg29 : memref<!tpu.dma_semaphore, #tpu.memory_space<semaphore_mem>>)
    %dma_start3A_76 = arith.constant 208 : i32
    %dma_start3A_77 = tpu.memref_slice %arg26[%dma_start3A_76] : memref<256xf32, #tpu.memory_space<vmem>> -> memref<16xf32, #tpu.memory_space<vmem>>
    %dma_start3A_78 = arith.constant 208 : i32
    %dma_start3A_79 = tpu.memref_slice %arg26[%dma_start3A_78] : memref<256xf32, #tpu.memory_space<vmem>> -> memref<16xf32, #tpu.memory_space<vmem>>
    tpu.enqueue_dma source(%arg20 : memref<16xf32, #tpu.memory_space<hbm>>) target(%dma_start3A_79 : memref<16xf32, #tpu.memory_space<vmem>>) target_semaphore(%arg29 : memref<!tpu.dma_semaphore, #tpu.memory_space<semaphore_mem>>)
    %dma_start3A_80 = arith.constant 224 : i32
    %dma_start3A_81 = tpu.memref_slice %arg26[%dma_start3A_80] : memref<256xf32, #tpu.memory_space<vmem>> -> memref<16xf32, #tpu.memory_space<vmem>>
    %dma_start3A_82 = arith.constant 224 : i32
    %dma_start3A_83 = tpu.memref_slice %arg26[%dma_start3A_82] : memref<256xf32, #tpu.memory_space<vmem>> -> memref<16xf32, #tpu.memory_space<vmem>>
    tpu.enqueue_dma source(%arg21 : memref<16xf32, #tpu.memory_space<hbm>>) target(%dma_start3A_83 : memref<16xf32, #tpu.memory_space<vmem>>) target_semaphore(%arg29 : memref<!tpu.dma_semaphore, #tpu.memory_space<semaphore_mem>>)
    %dma_start3A_84 = arith.constant 240 : i32
    %dma_start3A_85 = tpu.memref_slice %arg26[%dma_start3A_84] : memref<256xf32, #tpu.memory_space<vmem>> -> memref<16xf32, #tpu.memory_space<vmem>>
    %dma_start3A_86 = arith.constant 240 : i32
    %dma_start3A_87 = tpu.memref_slice %arg26[%dma_start3A_86] : memref<256xf32, #tpu.memory_space<vmem>> -> memref<16xf32, #tpu.memory_space<vmem>>
    tpu.enqueue_dma source(%arg22 : memref<16xf32, #tpu.memory_space<hbm>>) target(%dma_start3A_87 : memref<16xf32, #tpu.memory_space<vmem>>) target_semaphore(%arg29 : memref<!tpu.dma_semaphore, #tpu.memory_space<semaphore_mem>>)
    %dma_wait3A = arith.constant 0 : i32
    %dma_wait3A_88 = tpu.memref_slice %arg2[%add3A, %dma_wait3A] : memref<32x16xf32, #tpu.memory_space<hbm>> -> memref<1x16xf32, #tpu.memory_space<hbm>>
    %dma_wait3A_89 = tpu.memref_squeeze %dma_wait3A_88 : memref<1x16xf32, #tpu.memory_space<hbm>> -> memref<16xf32, #tpu.memory_space<hbm>>
    %dma_wait3A_90 = arith.constant 0 : i32
    %dma_wait3A_91 = tpu.memref_slice %arg2[%add3A, %dma_wait3A_90] : memref<32x16xf32, #tpu.memory_space<hbm>> -> memref<1x16xf32, #tpu.memory_space<hbm>>
    %dma_wait3A_92 = tpu.memref_squeeze %dma_wait3A_91 : memref<1x16xf32, #tpu.memory_space<hbm>> -> memref<16xf32, #tpu.memory_space<hbm>>
    tpu.wait_dma2 semaphore(%arg29 : memref<!tpu.dma_semaphore, #tpu.memory_space<semaphore_mem>>) src(%dma_wait3A_92 : memref<16xf32, #tpu.memory_space<hbm>>) dst(%arg24 : memref<16xf32, #tpu.memory_space<vmem>>)
    %dma_wait3A_93 = arith.constant 0 : i32
    %dma_wait3A_94 = tpu.memref_slice %arg3[%add3A, %dma_wait3A_93] : memref<32x128xf32, #tpu.memory_space<hbm>> -> memref<1x128xf32, #tpu.memory_space<hbm>>
    %dma_wait3A_95 = tpu.memref_squeeze %dma_wait3A_94 : memref<1x128xf32, #tpu.memory_space<hbm>> -> memref<128xf32, #tpu.memory_space<hbm>>
    %dma_wait3A_96 = arith.constant 0 : i32
    %dma_wait3A_97 = tpu.memref_slice %arg3[%add3A, %dma_wait3A_96] : memref<32x128xf32, #tpu.memory_space<hbm>> -> memref<1x128xf32, #tpu.memory_space<hbm>>
    %dma_wait3A_98 = tpu.memref_squeeze %dma_wait3A_97 : memref<1x128xf32, #tpu.memory_space<hbm>> -> memref<128xf32, #tpu.memory_space<hbm>>
    tpu.wait_dma2 semaphore(%arg29 : memref<!tpu.dma_semaphore, #tpu.memory_space<semaphore_mem>>) src(%dma_wait3A_98 : memref<128xf32, #tpu.memory_space<hbm>>) dst(%arg25 : memref<128xf32, #tpu.memory_space<vmem>>)
    %dma_wait3A_99 = arith.constant 0 : i32
    %dma_wait3A_100 = tpu.memref_slice %arg26[%dma_wait3A_99] : memref<256xf32, #tpu.memory_space<vmem>> -> memref<2xf32, #tpu.memory_space<vmem>>
    %dma_wait3A_101 = arith.constant 0 : i32
    %dma_wait3A_102 = tpu.memref_slice %arg26[%dma_wait3A_101] : memref<256xf32, #tpu.memory_space<vmem>> -> memref<2xf32, #tpu.memory_space<vmem>>
    tpu.wait_dma2 semaphore(%arg29 : memref<!tpu.dma_semaphore, #tpu.memory_space<semaphore_mem>>) src(%arg4 : memref<2xf32, #tpu.memory_space<hbm>>) dst(%dma_wait3A_102 : memref<2xf32, #tpu.memory_space<vmem>>)
    %dma_wait3A_103 = arith.constant 8 : i32
    %dma_wait3A_104 = tpu.memref_slice %arg26[%dma_wait3A_103] : memref<256xf32, #tpu.memory_space<vmem>> -> memref<1xf32, #tpu.memory_space<vmem>>
    %dma_wait3A_105 = arith.constant 8 : i32
    %dma_wait3A_106 = tpu.memref_slice %arg26[%dma_wait3A_105] : memref<256xf32, #tpu.memory_space<vmem>> -> memref<1xf32, #tpu.memory_space<vmem>>
    tpu.wait_dma2 semaphore(%arg29 : memref<!tpu.dma_semaphore, #tpu.memory_space<semaphore_mem>>) src(%arg5 : memref<1xf32, #tpu.memory_space<hbm>>) dst(%dma_wait3A_106 : memref<1xf32, #tpu.memory_space<vmem>>)
    %dma_wait3A_107 = arith.constant 16 : i32
    %dma_wait3A_108 = tpu.memref_slice %arg26[%dma_wait3A_107] : memref<256xf32, #tpu.memory_space<vmem>> -> memref<4xf32, #tpu.memory_space<vmem>>
    %dma_wait3A_109 = arith.constant 16 : i32
    %dma_wait3A_110 = tpu.memref_slice %arg26[%dma_wait3A_109] : memref<256xf32, #tpu.memory_space<vmem>> -> memref<4xf32, #tpu.memory_space<vmem>>
    tpu.wait_dma2 semaphore(%arg29 : memref<!tpu.dma_semaphore, #tpu.memory_space<semaphore_mem>>) src(%arg6 : memref<4xf32, #tpu.memory_space<hbm>>) dst(%dma_wait3A_110 : memref<4xf32, #tpu.memory_space<vmem>>)
    %dma_wait3A_111 = arith.constant 24 : i32
    %dma_wait3A_112 = tpu.memref_slice %arg26[%dma_wait3A_111] : memref<256xf32, #tpu.memory_space<vmem>> -> memref<1xf32, #tpu.memory_space<vmem>>
    %dma_wait3A_113 = arith.constant 24 : i32
    %dma_wait3A_114 = tpu.memref_slice %arg26[%dma_wait3A_113] : memref<256xf32, #tpu.memory_space<vmem>> -> memref<1xf32, #tpu.memory_space<vmem>>
    tpu.wait_dma2 semaphore(%arg29 : memref<!tpu.dma_semaphore, #tpu.memory_space<semaphore_mem>>) src(%arg7 : memref<1xf32, #tpu.memory_space<hbm>>) dst(%dma_wait3A_114 : memref<1xf32, #tpu.memory_space<vmem>>)
    %dma_wait3A_115 = arith.constant 32 : i32
    %dma_wait3A_116 = tpu.memref_slice %arg26[%dma_wait3A_115] : memref<256xf32, #tpu.memory_space<vmem>> -> memref<1xf32, #tpu.memory_space<vmem>>
    %dma_wait3A_117 = arith.constant 32 : i32
    %dma_wait3A_118 = tpu.memref_slice %arg26[%dma_wait3A_117] : memref<256xf32, #tpu.memory_space<vmem>> -> memref<1xf32, #tpu.memory_space<vmem>>
    tpu.wait_dma2 semaphore(%arg29 : memref<!tpu.dma_semaphore, #tpu.memory_space<semaphore_mem>>) src(%arg8 : memref<1xf32, #tpu.memory_space<hbm>>) dst(%dma_wait3A_118 : memref<1xf32, #tpu.memory_space<vmem>>)
    %dma_wait3A_119 = arith.constant 40 : i32
    %dma_wait3A_120 = tpu.memref_slice %arg26[%dma_wait3A_119] : memref<256xf32, #tpu.memory_space<vmem>> -> memref<1xf32, #tpu.memory_space<vmem>>
    %dma_wait3A_121 = arith.constant 40 : i32
    %dma_wait3A_122 = tpu.memref_slice %arg26[%dma_wait3A_121] : memref<256xf32, #tpu.memory_space<vmem>> -> memref<1xf32, #tpu.memory_space<vmem>>
    tpu.wait_dma2 semaphore(%arg29 : memref<!tpu.dma_semaphore, #tpu.memory_space<semaphore_mem>>) src(%arg9 : memref<1xf32, #tpu.memory_space<hbm>>) dst(%dma_wait3A_122 : memref<1xf32, #tpu.memory_space<vmem>>)
    %dma_wait3A_123 = arith.constant 48 : i32
    %dma_wait3A_124 = tpu.memref_slice %arg26[%dma_wait3A_123] : memref<256xf32, #tpu.memory_space<vmem>> -> memref<1xf32, #tpu.memory_space<vmem>>
    %dma_wait3A_125 = arith.constant 48 : i32
    %dma_wait3A_126 = tpu.memref_slice %arg26[%dma_wait3A_125] : memref<256xf32, #tpu.memory_space<vmem>> -> memref<1xf32, #tpu.memory_space<vmem>>
    tpu.wait_dma2 semaphore(%arg29 : memref<!tpu.dma_semaphore, #tpu.memory_space<semaphore_mem>>) src(%arg10 : memref<1xf32, #tpu.memory_space<hbm>>) dst(%dma_wait3A_126 : memref<1xf32, #tpu.memory_space<vmem>>)
    %dma_wait3A_127 = arith.constant 64 : i32
    %dma_wait3A_128 = tpu.memref_slice %arg26[%dma_wait3A_127] : memref<256xf32, #tpu.memory_space<vmem>> -> memref<16xf32, #tpu.memory_space<vmem>>
    %dma_wait3A_129 = arith.constant 64 : i32
    %dma_wait3A_130 = tpu.memref_slice %arg26[%dma_wait3A_129] : memref<256xf32, #tpu.memory_space<vmem>> -> memref<16xf32, #tpu.memory_space<vmem>>
    tpu.wait_dma2 semaphore(%arg29 : memref<!tpu.dma_semaphore, #tpu.memory_space<semaphore_mem>>) src(%arg11 : memref<16xf32, #tpu.memory_space<hbm>>) dst(%dma_wait3A_130 : memref<16xf32, #tpu.memory_space<vmem>>)
    %dma_wait3A_131 = arith.constant 80 : i32
    %dma_wait3A_132 = tpu.memref_slice %arg26[%dma_wait3A_131] : memref<256xf32, #tpu.memory_space<vmem>> -> memref<16xf32, #tpu.memory_space<vmem>>
    %dma_wait3A_133 = arith.constant 80 : i32
    %dma_wait3A_134 = tpu.memref_slice %arg26[%dma_wait3A_133] : memref<256xf32, #tpu.memory_space<vmem>> -> memref<16xf32, #tpu.memory_space<vmem>>
    tpu.wait_dma2 semaphore(%arg29 : memref<!tpu.dma_semaphore, #tpu.memory_space<semaphore_mem>>) src(%arg12 : memref<16xf32, #tpu.memory_space<hbm>>) dst(%dma_wait3A_134 : memref<16xf32, #tpu.memory_space<vmem>>)
    %dma_wait3A_135 = arith.constant 96 : i32
    %dma_wait3A_136 = tpu.memref_slice %arg26[%dma_wait3A_135] : memref<256xf32, #tpu.memory_space<vmem>> -> memref<16xf32, #tpu.memory_space<vmem>>
    %dma_wait3A_137 = arith.constant 96 : i32
    %dma_wait3A_138 = tpu.memref_slice %arg26[%dma_wait3A_137] : memref<256xf32, #tpu.memory_space<vmem>> -> memref<16xf32, #tpu.memory_space<vmem>>
    tpu.wait_dma2 semaphore(%arg29 : memref<!tpu.dma_semaphore, #tpu.memory_space<semaphore_mem>>) src(%arg13 : memref<16xf32, #tpu.memory_space<hbm>>) dst(%dma_wait3A_138 : memref<16xf32, #tpu.memory_space<vmem>>)
    %dma_wait3A_139 = arith.constant 112 : i32
    %dma_wait3A_140 = tpu.memref_slice %arg26[%dma_wait3A_139] : memref<256xf32, #tpu.memory_space<vmem>> -> memref<16xf32, #tpu.memory_space<vmem>>
    %dma_wait3A_141 = arith.constant 112 : i32
    %dma_wait3A_142 = tpu.memref_slice %arg26[%dma_wait3A_141] : memref<256xf32, #tpu.memory_space<vmem>> -> memref<16xf32, #tpu.memory_space<vmem>>
    tpu.wait_dma2 semaphore(%arg29 : memref<!tpu.dma_semaphore, #tpu.memory_space<semaphore_mem>>) src(%arg14 : memref<16xf32, #tpu.memory_space<hbm>>) dst(%dma_wait3A_142 : memref<16xf32, #tpu.memory_space<vmem>>)
    %dma_wait3A_143 = arith.constant 128 : i32
    %dma_wait3A_144 = tpu.memref_slice %arg26[%dma_wait3A_143] : memref<256xf32, #tpu.memory_space<vmem>> -> memref<16xf32, #tpu.memory_space<vmem>>
    %dma_wait3A_145 = arith.constant 128 : i32
    %dma_wait3A_146 = tpu.memref_slice %arg26[%dma_wait3A_145] : memref<256xf32, #tpu.memory_space<vmem>> -> memref<16xf32, #tpu.memory_space<vmem>>
    tpu.wait_dma2 semaphore(%arg29 : memref<!tpu.dma_semaphore, #tpu.memory_space<semaphore_mem>>) src(%arg15 : memref<16xf32, #tpu.memory_space<hbm>>) dst(%dma_wait3A_146 : memref<16xf32, #tpu.memory_space<vmem>>)
    %dma_wait3A_147 = arith.constant 144 : i32
    %dma_wait3A_148 = tpu.memref_slice %arg26[%dma_wait3A_147] : memref<256xf32, #tpu.memory_space<vmem>> -> memref<16xf32, #tpu.memory_space<vmem>>
    %dma_wait3A_149 = arith.constant 144 : i32
    %dma_wait3A_150 = tpu.memref_slice %arg26[%dma_wait3A_149] : memref<256xf32, #tpu.memory_space<vmem>> -> memref<16xf32, #tpu.memory_space<vmem>>
    tpu.wait_dma2 semaphore(%arg29 : memref<!tpu.dma_semaphore, #tpu.memory_space<semaphore_mem>>) src(%arg16 : memref<16xf32, #tpu.memory_space<hbm>>) dst(%dma_wait3A_150 : memref<16xf32, #tpu.memory_space<vmem>>)
    %dma_wait3A_151 = arith.constant 160 : i32
    %dma_wait3A_152 = tpu.memref_slice %arg26[%dma_wait3A_151] : memref<256xf32, #tpu.memory_space<vmem>> -> memref<16xf32, #tpu.memory_space<vmem>>
    %dma_wait3A_153 = arith.constant 160 : i32
    %dma_wait3A_154 = tpu.memref_slice %arg26[%dma_wait3A_153] : memref<256xf32, #tpu.memory_space<vmem>> -> memref<16xf32, #tpu.memory_space<vmem>>
    tpu.wait_dma2 semaphore(%arg29 : memref<!tpu.dma_semaphore, #tpu.memory_space<semaphore_mem>>) src(%arg17 : memref<16xf32, #tpu.memory_space<hbm>>) dst(%dma_wait3A_154 : memref<16xf32, #tpu.memory_space<vmem>>)
    %dma_wait3A_155 = arith.constant 176 : i32
    %dma_wait3A_156 = tpu.memref_slice %arg26[%dma_wait3A_155] : memref<256xf32, #tpu.memory_space<vmem>> -> memref<16xf32, #tpu.memory_space<vmem>>
    %dma_wait3A_157 = arith.constant 176 : i32
    %dma_wait3A_158 = tpu.memref_slice %arg26[%dma_wait3A_157] : memref<256xf32, #tpu.memory_space<vmem>> -> memref<16xf32, #tpu.memory_space<vmem>>
    tpu.wait_dma2 semaphore(%arg29 : memref<!tpu.dma_semaphore, #tpu.memory_space<semaphore_mem>>) src(%arg18 : memref<16xf32, #tpu.memory_space<hbm>>) dst(%dma_wait3A_158 : memref<16xf32, #tpu.memory_space<vmem>>)
    %dma_wait3A_159 = arith.constant 192 : i32
    %dma_wait3A_160 = tpu.memref_slice %arg26[%dma_wait3A_159] : memref<256xf32, #tpu.memory_space<vmem>> -> memref<16xf32, #tpu.memory_space<vmem>>
    %dma_wait3A_161 = arith.constant 192 : i32
    %dma_wait3A_162 = tpu.memref_slice %arg26[%dma_wait3A_161] : memref<256xf32, #tpu.memory_space<vmem>> -> memref<16xf32, #tpu.memory_space<vmem>>
    tpu.wait_dma2 semaphore(%arg29 : memref<!tpu.dma_semaphore, #tpu.memory_space<semaphore_mem>>) src(%arg19 : memref<16xf32, #tpu.memory_space<hbm>>) dst(%dma_wait3A_162 : memref<16xf32, #tpu.memory_space<vmem>>)
    %dma_wait3A_163 = arith.constant 208 : i32
    %dma_wait3A_164 = tpu.memref_slice %arg26[%dma_wait3A_163] : memref<256xf32, #tpu.memory_space<vmem>> -> memref<16xf32, #tpu.memory_space<vmem>>
    %dma_wait3A_165 = arith.constant 208 : i32
    %dma_wait3A_166 = tpu.memref_slice %arg26[%dma_wait3A_165] : memref<256xf32, #tpu.memory_space<vmem>> -> memref<16xf32, #tpu.memory_space<vmem>>
    tpu.wait_dma2 semaphore(%arg29 : memref<!tpu.dma_semaphore, #tpu.memory_space<semaphore_mem>>) src(%arg20 : memref<16xf32, #tpu.memory_space<hbm>>) dst(%dma_wait3A_166 : memref<16xf32, #tpu.memory_space<vmem>>)
    %dma_wait3A_167 = arith.constant 224 : i32
    %dma_wait3A_168 = tpu.memref_slice %arg26[%dma_wait3A_167] : memref<256xf32, #tpu.memory_space<vmem>> -> memref<16xf32, #tpu.memory_space<vmem>>
    %dma_wait3A_169 = arith.constant 224 : i32
    %dma_wait3A_170 = tpu.memref_slice %arg26[%dma_wait3A_169] : memref<256xf32, #tpu.memory_space<vmem>> -> memref<16xf32, #tpu.memory_space<vmem>>
    tpu.wait_dma2 semaphore(%arg29 : memref<!tpu.dma_semaphore, #tpu.memory_space<semaphore_mem>>) src(%arg21 : memref<16xf32, #tpu.memory_space<hbm>>) dst(%dma_wait3A_170 : memref<16xf32, #tpu.memory_space<vmem>>)
    %dma_wait3A_171 = arith.constant 240 : i32
    %dma_wait3A_172 = tpu.memref_slice %arg26[%dma_wait3A_171] : memref<256xf32, #tpu.memory_space<vmem>> -> memref<16xf32, #tpu.memory_space<vmem>>
    %dma_wait3A_173 = arith.constant 240 : i32
    %dma_wait3A_174 = tpu.memref_slice %arg26[%dma_wait3A_173] : memref<256xf32, #tpu.memory_space<vmem>> -> memref<16xf32, #tpu.memory_space<vmem>>
    tpu.wait_dma2 semaphore(%arg29 : memref<!tpu.dma_semaphore, #tpu.memory_space<semaphore_mem>>) src(%arg22 : memref<16xf32, #tpu.memory_space<hbm>>) dst(%dma_wait3A_174 : memref<16xf32, #tpu.memory_space<vmem>>)
    %iota3A = tpu.iota {dimensions = array<i32: 0>} : vector<16xi32>
    %lt3A = arith.constant 8 : i32
    %lt3A_175 = vector.broadcast %lt3A : i32 to vector<16xi32>
    %lt3A_176 = arith.cmpi slt, %iota3A, %lt3A_175 : vector<16xi32>
    %broadcast_in_dim3A = arith.constant 1 : i32
    %broadcast_in_dim3A_177 = vector.broadcast %broadcast_in_dim3A : i32 to vector<16xi32>
    %gather3A = tpu.vector_load_idx %arg24[%broadcast_in_dim3A_177] : memref<16xf32, #tpu.memory_space<vmem>>[vector<16xi32>], vector<16xf32>,
    %broadcast_in_dim3A_178 = arith.constant 2 : i32
    %broadcast_in_dim3A_179 = vector.broadcast %broadcast_in_dim3A_178 : i32 to vector<16xi32>
    %gather3A_180 = tpu.vector_load_idx %arg24[%broadcast_in_dim3A_179] : memref<16xf32, #tpu.memory_space<vmem>>[vector<16xi32>], vector<16xf32>,
    %broadcast_in_dim3A_181 = arith.constant 3 : i32
    %broadcast_in_dim3A_182 = vector.broadcast %broadcast_in_dim3A_181 : i32 to vector<16xi32>
    %gather3A_183 = tpu.vector_load_idx %arg24[%broadcast_in_dim3A_182] : memref<16xf32, #tpu.memory_space<vmem>>[vector<16xi32>], vector<16xf32>,
    %broadcast_in_dim3A_184 = arith.constant 4 : i32
    %broadcast_in_dim3A_185 = vector.broadcast %broadcast_in_dim3A_184 : i32 to vector<16xi32>
    %gather3A_186 = tpu.vector_load_idx %arg24[%broadcast_in_dim3A_185] : memref<16xf32, #tpu.memory_space<vmem>>[vector<16xi32>], vector<16xf32>,
    %broadcast_in_dim3A_187 = arith.constant 0 : i32
    %broadcast_in_dim3A_188 = vector.broadcast %broadcast_in_dim3A_187 : i32 to vector<16xi32>
    %gather3A_189 = tpu.vector_load_idx %arg26[%broadcast_in_dim3A_188] : memref<256xf32, #tpu.memory_space<vmem>>[vector<16xi32>], vector<16xf32>,
    %broadcast_in_dim3A_190 = arith.constant 1 : i32
    %broadcast_in_dim3A_191 = vector.broadcast %broadcast_in_dim3A_190 : i32 to vector<16xi32>
    %gather3A_192 = tpu.vector_load_idx %arg26[%broadcast_in_dim3A_191] : memref<256xf32, #tpu.memory_space<vmem>>[vector<16xi32>], vector<16xf32>,
    %broadcast_in_dim3A_193 = arith.constant 8 : i32
    %broadcast_in_dim3A_194 = vector.broadcast %broadcast_in_dim3A_193 : i32 to vector<16xi32>
    %gather3A_195 = tpu.vector_load_idx %arg26[%broadcast_in_dim3A_194] : memref<256xf32, #tpu.memory_space<vmem>>[vector<16xi32>], vector<16xf32>,
    %broadcast_in_dim3A_196 = arith.constant 16 : i32
    %broadcast_in_dim3A_197 = vector.broadcast %broadcast_in_dim3A_196 : i32 to vector<16xi32>
    %gather3A_198 = tpu.vector_load_idx %arg26[%broadcast_in_dim3A_197] : memref<256xf32, #tpu.memory_space<vmem>>[vector<16xi32>], vector<16xf32>,
    %broadcast_in_dim3A_199 = arith.constant 19 : i32
    %broadcast_in_dim3A_200 = vector.broadcast %broadcast_in_dim3A_199 : i32 to vector<16xi32>
    %gather3A_201 = tpu.vector_load_idx %arg26[%broadcast_in_dim3A_200] : memref<256xf32, #tpu.memory_space<vmem>>[vector<16xi32>], vector<16xf32>,
    %broadcast_in_dim3A_202 = arith.constant 24 : i32
    %broadcast_in_dim3A_203 = vector.broadcast %broadcast_in_dim3A_202 : i32 to vector<16xi32>
    %gather3A_204 = tpu.vector_load_idx %arg26[%broadcast_in_dim3A_203] : memref<256xf32, #tpu.memory_space<vmem>>[vector<16xi32>], vector<16xf32>,
    %broadcast_in_dim3A_205 = arith.constant 32 : i32
    %broadcast_in_dim3A_206 = vector.broadcast %broadcast_in_dim3A_205 : i32 to vector<16xi32>
    %gather3A_207 = tpu.vector_load_idx %arg26[%broadcast_in_dim3A_206] : memref<256xf32, #tpu.memory_space<vmem>>[vector<16xi32>], vector<16xf32>,
    %broadcast_in_dim3A_208 = arith.constant 40 : i32
    %broadcast_in_dim3A_209 = vector.broadcast %broadcast_in_dim3A_208 : i32 to vector<16xi32>
    %gather3A_210 = tpu.vector_load_idx %arg26[%broadcast_in_dim3A_209] : memref<256xf32, #tpu.memory_space<vmem>>[vector<16xi32>], vector<16xf32>,
    %broadcast_in_dim3A_211 = arith.constant 48 : i32
    %broadcast_in_dim3A_212 = vector.broadcast %broadcast_in_dim3A_211 : i32 to vector<16xi32>
    %gather3A_213 = tpu.vector_load_idx %arg26[%broadcast_in_dim3A_212] : memref<256xf32, #tpu.memory_space<vmem>>[vector<16xi32>], vector<16xf32>,
    %and3A = arith.constant 7 : i32
    %and3A_214 = vector.broadcast %and3A : i32 to vector<16xi32>
    %and3A_215 = arith.andi %iota3A, %and3A_214 : vector<16xi32>
    %mul3A_216 = arith.constant 16 : i32
    %mul3A_217 = vector.broadcast %mul3A_216 : i32 to vector<16xi32>
    %mul3A_218 = arith.muli %and3A_215, %mul3A_217 : vector<16xi32>
    %add3A_219 = arith.constant 0 : i32
    %add3A_220 = vector.broadcast %add3A_219 : i32 to vector<16xi32>
    %add3A_221 = arith.addi %mul3A_218, %add3A_220 : vector<16xi32>
    %gather3A_222 = tpu.vector_load_idx %arg25[%add3A_221] : memref<128xf32, #tpu.memory_space<vmem>>[vector<16xi32>], vector<16xf32>,
    %jit3A = arith.constant 0.000000e+00 : f32
    %broadcast_in_dim3A_223 = vector.broadcast %jit3A : f32 to vector<16xf32>
    %select_n3A = arith.select %lt3A_176, %gather3A_222, %broadcast_in_dim3A_223 : vector<16xi1>, vector<16xf32>
    %ne3A = arith.cmpf one, %select_n3A, %select_n3A : vector<16xf32>
    %broadcast_in_dim3A_224 = arith.constant 7 : i32
    %broadcast_in_dim3A_225 = vector.broadcast %broadcast_in_dim3A_224 : i32 to vector<16xi32>
    %gather3A_226 = tpu.vector_load_idx %arg24[%broadcast_in_dim3A_225] : memref<16xf32, #tpu.memory_space<vmem>>[vector<16xi32>], vector<16xf32>,
    %eq3A = arith.cmpf oeq, %select_n3A, %gather3A_226 : vector<16xf32>
    %or3A = arith.ori %ne3A, %eq3A : vector<16xi1>
    %broadcast_in_dim3A_227 = arith.constant 8 : i32
    %broadcast_in_dim3A_228 = vector.broadcast %broadcast_in_dim3A_227 : i32 to vector<16xi32>
    %gather3A_229 = tpu.vector_load_idx %arg24[%broadcast_in_dim3A_228] : memref<16xf32, #tpu.memory_space<vmem>>[vector<16xi32>], vector<16xf32>,
    %eq3A_230 = arith.cmpf oeq, %select_n3A, %gather3A_229 : vector<16xf32>
    %or3A_231 = arith.ori %or3A, %eq3A_230 : vector<16xi1>
    %broadcast_in_dim3A_232 = arith.constant 9 : i32
    %broadcast_in_dim3A_233 = vector.broadcast %broadcast_in_dim3A_232 : i32 to vector<16xi32>
    %gather3A_234 = tpu.vector_load_idx %arg24[%broadcast_in_dim3A_233] : memref<16xf32, #tpu.memory_space<vmem>>[vector<16xi32>], vector<16xf32>,
    %eq3A_235 = arith.cmpf oeq, %select_n3A, %gather3A_234 : vector<16xf32>
    %or3A_236 = arith.ori %or3A_231, %eq3A_235 : vector<16xi1>
    %broadcast_in_dim3A_237 = arith.constant 10 : i32
    %broadcast_in_dim3A_238 = vector.broadcast %broadcast_in_dim3A_237 : i32 to vector<16xi32>
    %gather3A_239 = tpu.vector_load_idx %arg24[%broadcast_in_dim3A_238] : memref<16xf32, #tpu.memory_space<vmem>>[vector<16xi32>], vector<16xf32>,
    %eq3A_240 = arith.cmpf oeq, %select_n3A, %gather3A_239 : vector<16xf32>
    %or3A_241 = arith.ori %or3A_236, %eq3A_240 : vector<16xi1>
    %broadcast_in_dim3A_242 = arith.constant 11 : i32
    %broadcast_in_dim3A_243 = vector.broadcast %broadcast_in_dim3A_242 : i32 to vector<16xi32>
    %gather3A_244 = tpu.vector_load_idx %arg24[%broadcast_in_dim3A_243] : memref<16xf32, #tpu.memory_space<vmem>>[vector<16xi32>], vector<16xf32>,
    %eq3A_245 = arith.cmpf oeq, %select_n3A, %gather3A_244 : vector<16xf32>
    %or3A_246 = arith.ori %or3A_241, %eq3A_245 : vector<16xi1>
    %broadcast_in_dim3A_247 = arith.constant 12 : i32
    %broadcast_in_dim3A_248 = vector.broadcast %broadcast_in_dim3A_247 : i32 to vector<16xi32>
    %gather3A_249 = tpu.vector_load_idx %arg24[%broadcast_in_dim3A_248] : memref<16xf32, #tpu.memory_space<vmem>>[vector<16xi32>], vector<16xf32>,
    %eq3A_250 = arith.cmpf oeq, %select_n3A, %gather3A_249 : vector<16xf32>
    %or3A_251 = arith.ori %or3A_246, %eq3A_250 : vector<16xi1>
    %broadcast_in_dim3A_252 = arith.constant 13 : i32
    %broadcast_in_dim3A_253 = vector.broadcast %broadcast_in_dim3A_252 : i32 to vector<16xi32>
    %gather3A_254 = tpu.vector_load_idx %arg24[%broadcast_in_dim3A_253] : memref<16xf32, #tpu.memory_space<vmem>>[vector<16xi32>], vector<16xf32>,
    %eq3A_255 = arith.cmpf oeq, %select_n3A, %gather3A_254 : vector<16xf32>
    %or3A_256 = arith.ori %or3A_251, %eq3A_255 : vector<16xi1>
    %broadcast_in_dim3A_257 = arith.constant 14 : i32
    %broadcast_in_dim3A_258 = vector.broadcast %broadcast_in_dim3A_257 : i32 to vector<16xi32>
    %gather3A_259 = tpu.vector_load_idx %arg24[%broadcast_in_dim3A_258] : memref<16xf32, #tpu.memory_space<vmem>>[vector<16xi32>], vector<16xf32>,
    %eq3A_260 = arith.cmpf oeq, %select_n3A, %gather3A_259 : vector<16xf32>
    %or3A_261 = arith.ori %or3A_256, %eq3A_260 : vector<16xi1>
    %ne3A_262 = arith.constant 0.000000e+00 : f32
    %ne3A_263 = vector.broadcast %ne3A_262 : f32 to vector<16xf32>
    %ne3A_264 = arith.cmpf one, %select_n3A, %ne3A_263 : vector<16xf32>
    %and3A_265 = arith.andi %or3A_261, %ne3A_264 : vector<16xi1>
    %add3A_266 = arith.constant 1 : i32
    %add3A_267 = vector.broadcast %add3A_266 : i32 to vector<16xi32>
    %add3A_268 = arith.addi %mul3A_218, %add3A_267 : vector<16xi32>
    %gather3A_269 = tpu.vector_load_idx %arg25[%add3A_268] : memref<128xf32, #tpu.memory_space<vmem>>[vector<16xi32>], vector<16xf32>,
    %sub3A = arith.subf %gather3A_269, %gather3A : vector<16xf32>
    %jit3A_270 = arith.constant 0.000000e+00 : f32
    %broadcast_in_dim3A_271 = vector.broadcast %jit3A_270 : f32 to vector<16xf32>
    %select_n3A_272 = arith.select %and3A_265, %sub3A, %broadcast_in_dim3A_271 : vector<16xi1>, vector<16xf32>
    %add3A_273 = arith.constant 2 : i32
    %add3A_274 = vector.broadcast %add3A_273 : i32 to vector<16xi32>
    %add3A_275 = arith.addi %mul3A_218, %add3A_274 : vector<16xi32>
    %gather3A_276 = tpu.vector_load_idx %arg25[%add3A_275] : memref<128xf32, #tpu.memory_space<vmem>>[vector<16xi32>], vector<16xf32>,
    %sub3A_277 = arith.subf %gather3A_276, %gather3A_180 : vector<16xf32>
    %jit3A_278 = arith.constant 0.000000e+00 : f32
    %broadcast_in_dim3A_279 = vector.broadcast %jit3A_278 : f32 to vector<16xf32>
    %select_n3A_280 = arith.select %and3A_265, %sub3A_277, %broadcast_in_dim3A_279 : vector<16xi1>, vector<16xf32>
    %add3A_281 = arith.constant 3 : i32
    %add3A_282 = vector.broadcast %add3A_281 : i32 to vector<16xi32>
    %add3A_283 = arith.addi %mul3A_218, %add3A_282 : vector<16xi32>
    %gather3A_284 = tpu.vector_load_idx %arg25[%add3A_283] : memref<128xf32, #tpu.memory_space<vmem>>[vector<16xi32>], vector<16xf32>,
    %jit3A_285 = arith.constant 0.000000e+00 : f32
    %broadcast_in_dim3A_286 = vector.broadcast %jit3A_285 : f32 to vector<16xf32>
    %select_n3A_287 = arith.select %lt3A_176, %gather3A_284, %broadcast_in_dim3A_286 : vector<16xi1>, vector<16xf32>
    %add3A_288 = arith.constant 4 : i32
    %add3A_289 = vector.broadcast %add3A_288 : i32 to vector<16xi32>
    %add3A_290 = arith.addi %mul3A_218, %add3A_289 : vector<16xi32>
    %gather3A_291 = tpu.vector_load_idx %arg25[%add3A_290] : memref<128xf32, #tpu.memory_space<vmem>>[vector<16xi32>], vector<16xf32>,
    %jit3A_292 = arith.constant 0.000000e+00 : f32
    %broadcast_in_dim3A_293 = vector.broadcast %jit3A_292 : f32 to vector<16xf32>
    %select_n3A_294 = arith.select %lt3A_176, %gather3A_291, %broadcast_in_dim3A_293 : vector<16xi1>, vector<16xf32>
    %mul3A_295 = arith.mulf %select_n3A_272, %select_n3A_272 : vector<16xf32>
    %mul3A_296 = arith.mulf %select_n3A_280, %select_n3A_280 : vector<16xf32>
    %add3A_297 = arith.addf %mul3A_295, %mul3A_296 : vector<16xf32>
    %jit3A_298 = arith.constant 1.000000e+00 : f32
    %broadcast_in_dim3A_299 = vector.broadcast %jit3A_298 : f32 to vector<16xf32>
    %select_n3A_300 = arith.select %lt3A_176, %add3A_297, %broadcast_in_dim3A_299 : vector<16xi1>, vector<16xf32>
    %max3A = arith.constant 1.000000e-30 : f32
    %max3A_301 = vector.broadcast %max3A : f32 to vector<16xf32>
    %max3A_302 = arith.maximumf %select_n3A_300, %max3A_301 : vector<16xf32>
    %bitcast_convert_type3A = tpu.bitcast %max3A_302 : vector<16xf32> -> vector<16xi32>
    %shift_right_arithmetic3A = arith.constant 1 : i32
    %shift_right_arithmetic3A_303 = vector.broadcast %shift_right_arithmetic3A : i32 to vector<16xi32>
    %shift_right_arithmetic3A_304 = arith.shrsi %bitcast_convert_type3A, %shift_right_arithmetic3A_303 : vector<16xi32>
    %sub3A_305 = arith.constant 1597463007 : i32
    %sub3A_306 = vector.broadcast %sub3A_305 : i32 to vector<16xi32>
    %sub3A_307 = arith.subi %sub3A_306, %shift_right_arithmetic3A_304 : vector<16xi32>
    %bitcast_convert_type3A_308 = tpu.bitcast %sub3A_307 : vector<16xi32> -> vector<16xf32>
    %mul3A_309 = arith.constant 5.000000e-01 : f32
    %mul3A_310 = vector.broadcast %mul3A_309 : f32 to vector<16xf32>
    %mul3A_311 = arith.mulf %mul3A_310, %max3A_302 : vector<16xf32>
    %mul3A_312 = arith.mulf %mul3A_311, %bitcast_convert_type3A_308 : vector<16xf32>
    %mul3A_313 = arith.mulf %mul3A_312, %bitcast_convert_type3A_308 : vector<16xf32>
    %sub3A_314 = arith.constant 1.500000e+00 : f32
    %sub3A_315 = vector.broadcast %sub3A_314 : f32 to vector<16xf32>
    %sub3A_316 = arith.subf %sub3A_315, %mul3A_313 : vector<16xf32>
    %mul3A_317 = arith.mulf %bitcast_convert_type3A_308, %sub3A_316 : vector<16xf32>
    %mul3A_318 = arith.constant 5.000000e-01 : f32
    %mul3A_319 = vector.broadcast %mul3A_318 : f32 to vector<16xf32>
    %mul3A_320 = arith.mulf %mul3A_319, %max3A_302 : vector<16xf32>
    %mul3A_321 = arith.mulf %mul3A_320, %mul3A_317 : vector<16xf32>
    %mul3A_322 = arith.mulf %mul3A_321, %mul3A_317 : vector<16xf32>
    %sub3A_323 = arith.constant 1.500000e+00 : f32
    %sub3A_324 = vector.broadcast %sub3A_323 : f32 to vector<16xf32>
    %sub3A_325 = arith.subf %sub3A_324, %mul3A_322 : vector<16xf32>
    %mul3A_326 = arith.mulf %mul3A_317, %sub3A_325 : vector<16xf32>
    %mul3A_327 = arith.constant 5.000000e-01 : f32
    %mul3A_328 = vector.broadcast %mul3A_327 : f32 to vector<16xf32>
    %mul3A_329 = arith.mulf %mul3A_328, %max3A_302 : vector<16xf32>
    %mul3A_330 = arith.mulf %mul3A_329, %mul3A_326 : vector<16xf32>
    %mul3A_331 = arith.mulf %mul3A_330, %mul3A_326 : vector<16xf32>
    %sub3A_332 = arith.constant 1.500000e+00 : f32
    %sub3A_333 = vector.broadcast %sub3A_332 : f32 to vector<16xf32>
    %sub3A_334 = arith.subf %sub3A_333, %mul3A_331 : vector<16xf32>
    %mul3A_335 = arith.mulf %mul3A_326, %sub3A_334 : vector<16xf32>
    %mul3A_336 = arith.mulf %max3A_302, %mul3A_335 : vector<16xf32>
    %jit3A_337 = arith.constant 0.000000e+00 : f32
    %broadcast_in_dim3A_338 = vector.broadcast %jit3A_337 : f32 to vector<16xf32>
    %select_n3A_339 = arith.select %lt3A_176, %mul3A_336, %broadcast_in_dim3A_338 : vector<16xi1>, vector<16xf32>
    %mul3A_340 = arith.mulf %select_n3A_272, %mul3A_335 : vector<16xf32>
    %mul3A_341 = arith.mulf %select_n3A_280, %mul3A_335 : vector<16xf32>
    %mul3A_342 = arith.mulf %gather3A_183, %gather3A_183 : vector<16xf32>
    %mul3A_343 = arith.mulf %gather3A_186, %gather3A_186 : vector<16xf32>
    %add3A_344 = arith.addf %mul3A_342, %mul3A_343 : vector<16xf32>
    %max3A_345 = arith.constant 1.000000e-30 : f32
    %max3A_346 = vector.broadcast %max3A_345 : f32 to vector<16xf32>
    %max3A_347 = arith.maximumf %add3A_344, %max3A_346 : vector<16xf32>
    %bitcast_convert_type3A_348 = tpu.bitcast %max3A_347 : vector<16xf32> -> vector<16xi32>
    %shift_right_arithmetic3A_349 = arith.constant 1 : i32
    %shift_right_arithmetic3A_350 = vector.broadcast %shift_right_arithmetic3A_349 : i32 to vector<16xi32>
    %shift_right_arithmetic3A_351 = arith.shrsi %bitcast_convert_type3A_348, %shift_right_arithmetic3A_350 : vector<16xi32>
    %sub3A_352 = arith.constant 1597463007 : i32
    %sub3A_353 = vector.broadcast %sub3A_352 : i32 to vector<16xi32>
    %sub3A_354 = arith.subi %sub3A_353, %shift_right_arithmetic3A_351 : vector<16xi32>
    %bitcast_convert_type3A_355 = tpu.bitcast %sub3A_354 : vector<16xi32> -> vector<16xf32>
    %mul3A_356 = arith.constant 5.000000e-01 : f32
    %mul3A_357 = vector.broadcast %mul3A_356 : f32 to vector<16xf32>
    %mul3A_358 = arith.mulf %mul3A_357, %max3A_347 : vector<16xf32>
    %mul3A_359 = arith.mulf %mul3A_358, %bitcast_convert_type3A_355 : vector<16xf32>
    %mul3A_360 = arith.mulf %mul3A_359, %bitcast_convert_type3A_355 : vector<16xf32>
    %sub3A_361 = arith.constant 1.500000e+00 : f32
    %sub3A_362 = vector.broadcast %sub3A_361 : f32 to vector<16xf32>
    %sub3A_363 = arith.subf %sub3A_362, %mul3A_360 : vector<16xf32>
    %mul3A_364 = arith.mulf %bitcast_convert_type3A_355, %sub3A_363 : vector<16xf32>
    %mul3A_365 = arith.constant 5.000000e-01 : f32
    %mul3A_366 = vector.broadcast %mul3A_365 : f32 to vector<16xf32>
    %mul3A_367 = arith.mulf %mul3A_366, %max3A_347 : vector<16xf32>
    %mul3A_368 = arith.mulf %mul3A_367, %mul3A_364 : vector<16xf32>
    %mul3A_369 = arith.mulf %mul3A_368, %mul3A_364 : vector<16xf32>
    %sub3A_370 = arith.constant 1.500000e+00 : f32
    %sub3A_371 = vector.broadcast %sub3A_370 : f32 to vector<16xf32>
    %sub3A_372 = arith.subf %sub3A_371, %mul3A_369 : vector<16xf32>
    %mul3A_373 = arith.mulf %mul3A_364, %sub3A_372 : vector<16xf32>
    %mul3A_374 = arith.constant 5.000000e-01 : f32
    %mul3A_375 = vector.broadcast %mul3A_374 : f32 to vector<16xf32>
    %mul3A_376 = arith.mulf %mul3A_375, %max3A_347 : vector<16xf32>
    %mul3A_377 = arith.mulf %mul3A_376, %mul3A_373 : vector<16xf32>
    %mul3A_378 = arith.mulf %mul3A_377, %mul3A_373 : vector<16xf32>
    %sub3A_379 = arith.constant 1.500000e+00 : f32
    %sub3A_380 = vector.broadcast %sub3A_379 : f32 to vector<16xf32>
    %sub3A_381 = arith.subf %sub3A_380, %mul3A_378 : vector<16xf32>
    %mul3A_382 = arith.mulf %mul3A_373, %sub3A_381 : vector<16xf32>
    %mul3A_383 = arith.mulf %max3A_347, %mul3A_382 : vector<16xf32>
    %max3A_384 = arith.constant 1.000000e-16 : f32
    %max3A_385 = vector.broadcast %max3A_384 : f32 to vector<16xf32>
    %max3A_386 = arith.maximumf %add3A_344, %max3A_385 : vector<16xf32>
    %mul3A_387 = arith.constant 2.000000e-02 : f32
    %mul3A_388 = vector.broadcast %mul3A_387 : f32 to vector<16xf32>
    %mul3A_389 = arith.mulf %select_n3A_287, %mul3A_388 : vector<16xf32>
    %add3A_390 = arith.addf %select_n3A_272, %mul3A_389 : vector<16xf32>
    %mul3A_391 = arith.constant 2.000000e-02 : f32
    %mul3A_392 = vector.broadcast %mul3A_391 : f32 to vector<16xf32>
    %mul3A_393 = arith.mulf %select_n3A_294, %mul3A_392 : vector<16xf32>
    %add3A_394 = arith.addf %select_n3A_280, %mul3A_393 : vector<16xf32>
    %mul3A_395 = arith.mulf %add3A_390, %add3A_390 : vector<16xf32>
    %mul3A_396 = arith.mulf %add3A_394, %add3A_394 : vector<16xf32>
    %add3A_397 = arith.addf %mul3A_395, %mul3A_396 : vector<16xf32>
    %add3A_398 = arith.addf %select_n3A_339, %add3A_397 : vector<16xf32>
    %mul3A_399 = arith.mulf %select_n3A_287, %select_n3A_287 : vector<16xf32>
    %mul3A_400 = arith.mulf %select_n3A_294, %select_n3A_294 : vector<16xf32>
    %add3A_401 = arith.addf %mul3A_399, %mul3A_400 : vector<16xf32>
    %mul3A_402 = arith.constant 4.000000e-04 : f32
    %mul3A_403 = vector.broadcast %mul3A_402 : f32 to vector<16xf32>
    %mul3A_404 = arith.mulf %mul3A_403, %add3A_401 : vector<16xf32>
    %sub3A_405 = arith.subf %add3A_398, %mul3A_404 : vector<16xf32>
    %max3A_406 = arith.constant 9.99999996E-13 : f32
    %max3A_407 = vector.broadcast %max3A_406 : f32 to vector<16xf32>
    %max3A_408 = arith.maximumf %sub3A_405, %max3A_407 : vector<16xf32>
    %max3A_409 = arith.constant 1.000000e-30 : f32
    %max3A_410 = vector.broadcast %max3A_409 : f32 to vector<16xf32>
    %max3A_411 = arith.maximumf %max3A_408, %max3A_410 : vector<16xf32>
    %bitcast_convert_type3A_412 = tpu.bitcast %max3A_411 : vector<16xf32> -> vector<16xi32>
    %shift_right_arithmetic3A_413 = arith.constant 1 : i32
    %shift_right_arithmetic3A_414 = vector.broadcast %shift_right_arithmetic3A_413 : i32 to vector<16xi32>
    %shift_right_arithmetic3A_415 = arith.shrsi %bitcast_convert_type3A_412, %shift_right_arithmetic3A_414 : vector<16xi32>
    %sub3A_416 = arith.constant 1597463007 : i32
    %sub3A_417 = vector.broadcast %sub3A_416 : i32 to vector<16xi32>
    %sub3A_418 = arith.subi %sub3A_417, %shift_right_arithmetic3A_415 : vector<16xi32>
    %bitcast_convert_type3A_419 = tpu.bitcast %sub3A_418 : vector<16xi32> -> vector<16xf32>
    %mul3A_420 = arith.constant 5.000000e-01 : f32
    %mul3A_421 = vector.broadcast %mul3A_420 : f32 to vector<16xf32>
    %mul3A_422 = arith.mulf %mul3A_421, %max3A_411 : vector<16xf32>
    %mul3A_423 = arith.mulf %mul3A_422, %bitcast_convert_type3A_419 : vector<16xf32>
    %mul3A_424 = arith.mulf %mul3A_423, %bitcast_convert_type3A_419 : vector<16xf32>
    %sub3A_425 = arith.constant 1.500000e+00 : f32
    %sub3A_426 = vector.broadcast %sub3A_425 : f32 to vector<16xf32>
    %sub3A_427 = arith.subf %sub3A_426, %mul3A_424 : vector<16xf32>
    %mul3A_428 = arith.mulf %bitcast_convert_type3A_419, %sub3A_427 : vector<16xf32>
    %mul3A_429 = arith.constant 5.000000e-01 : f32
    %mul3A_430 = vector.broadcast %mul3A_429 : f32 to vector<16xf32>
    %mul3A_431 = arith.mulf %mul3A_430, %max3A_411 : vector<16xf32>
    %mul3A_432 = arith.mulf %mul3A_431, %mul3A_428 : vector<16xf32>
    %mul3A_433 = arith.mulf %mul3A_432, %mul3A_428 : vector<16xf32>
    %sub3A_434 = arith.constant 1.500000e+00 : f32
    %sub3A_435 = vector.broadcast %sub3A_434 : f32 to vector<16xf32>
    %sub3A_436 = arith.subf %sub3A_435, %mul3A_433 : vector<16xf32>
    %mul3A_437 = arith.mulf %mul3A_428, %sub3A_436 : vector<16xf32>
    %mul3A_438 = arith.constant 5.000000e-01 : f32
    %mul3A_439 = vector.broadcast %mul3A_438 : f32 to vector<16xf32>
    %mul3A_440 = arith.mulf %mul3A_439, %max3A_411 : vector<16xf32>
    %mul3A_441 = arith.mulf %mul3A_440, %mul3A_437 : vector<16xf32>
    %mul3A_442 = arith.mulf %mul3A_441, %mul3A_437 : vector<16xf32>
    %sub3A_443 = arith.constant 1.500000e+00 : f32
    %sub3A_444 = vector.broadcast %sub3A_443 : f32 to vector<16xf32>
    %sub3A_445 = arith.subf %sub3A_444, %mul3A_442 : vector<16xf32>
    %mul3A_446 = arith.mulf %mul3A_437, %sub3A_445 : vector<16xf32>
    %mul3A_447 = arith.mulf %max3A_411, %mul3A_446 : vector<16xf32>
    %mul3A_448 = arith.constant 5.000000e-01 : f32
    %mul3A_449 = vector.broadcast %mul3A_448 : f32 to vector<16xf32>
    %mul3A_450 = arith.mulf %mul3A_447, %mul3A_449 : vector<16xf32>
    %swap3A = arith.constant 0 : index
    %swap3A_451 = tpu.vector_load %arg27[%swap3A] {strides = array<i32>} : memref<64xf32, #tpu.memory_space<vmem>>, vector<16xf32>,
    tpu.vector_store %arg27[%swap3A], %mul3A_450 {strides = array<i32>} : memref<64xf32, #tpu.memory_space<vmem>>, vector<16xf32>,
    %and3A_452 = arith.constant 7 : i32
    %and3A_453 = vector.broadcast %and3A_452 : i32 to vector<16xi32>
    %and3A_454 = arith.andi %iota3A, %and3A_453 : vector<16xi32>
    %gather3A_455 = tpu.vector_load_idx %arg27[%and3A_454] : memref<64xf32, #tpu.memory_space<vmem>>[vector<16xi32>], vector<16xf32>,
    %select_n3A_456 = arith.select %lt3A_176, %select_n3A_339, %gather3A_455 : vector<16xi1>, vector<16xf32>
    %sub3A_457 = arith.subf %gather3A_180, %gather3A_198 : vector<16xf32>
    %sub3A_458 = arith.subf %gather3A_180, %gather3A_201 : vector<16xf32>
    %eq3A_459 = arith.constant 0 : i32
    %eq3A_460 = vector.broadcast %eq3A_459 : i32 to vector<16xi32>
    %eq3A_461 = arith.cmpi eq, %iota3A, %eq3A_460 : vector<16xi32>
    %abs3A = math.absf %sub3A_457 : vector<16xf32>
    %eq3A_462 = arith.constant 1 : i32
    %eq3A_463 = vector.broadcast %eq3A_462 : i32 to vector<16xi32>
    %eq3A_464 = arith.cmpi eq, %iota3A, %eq3A_463 : vector<16xi32>
    %abs3A_465 = math.absf %sub3A_458 : vector<16xf32>
    %eq3A_466 = arith.constant 2 : i32
    %eq3A_467 = vector.broadcast %eq3A_466 : i32 to vector<16xi32>
    %eq3A_468 = arith.cmpi eq, %iota3A, %eq3A_467 : vector<16xi32>
    %jit3A_469 = arith.constant 1.000000e+00 : f32
    %jit3A_470 = arith.constant 0.000000e+00 : f32
    %broadcast_in_dim3A_471 = vector.broadcast %jit3A_469 : f32 to vector<16xf32>
    %broadcast_in_dim3A_472 = vector.broadcast %jit3A_470 : f32 to vector<16xf32>
    %select_n3A_473 = arith.select %eq3A_468, %broadcast_in_dim3A_471, %broadcast_in_dim3A_472 : vector<16xi1>, vector<16xf32>
    %select_n3A_474 = arith.select %eq3A_464, %abs3A_465, %select_n3A_473 : vector<16xi1>, vector<16xf32>
    %select_n3A_475 = arith.select %eq3A_461, %abs3A, %select_n3A_474 : vector<16xi1>, vector<16xf32>
    %jit3A_476 = arith.constant 64 : i32
    %jit3A_477 = arith.constant 112 : i32
    %broadcast_in_dim3A_478 = vector.broadcast %jit3A_476 : i32 to vector<16xi32>
    %broadcast_in_dim3A_479 = vector.broadcast %jit3A_477 : i32 to vector<16xi32>
    %select_n3A_480 = arith.select %lt3A_176, %broadcast_in_dim3A_478, %broadcast_in_dim3A_479 : vector<16xi1>, vector<16xi32>
    %jit3A_481 = arith.constant 80 : i32
    %jit3A_482 = arith.constant 128 : i32
    %broadcast_in_dim3A_483 = vector.broadcast %jit3A_481 : i32 to vector<16xi32>
    %broadcast_in_dim3A_484 = vector.broadcast %jit3A_482 : i32 to vector<16xi32>
    %select_n3A_485 = arith.select %lt3A_176, %broadcast_in_dim3A_483, %broadcast_in_dim3A_484 : vector<16xi1>, vector<16xi32>
    %jit3A_486 = arith.constant 96 : i32
    %jit3A_487 = arith.constant 144 : i32
    %broadcast_in_dim3A_488 = vector.broadcast %jit3A_486 : i32 to vector<16xi32>
    %broadcast_in_dim3A_489 = vector.broadcast %jit3A_487 : i32 to vector<16xi32>
    %select_n3A_490 = arith.select %lt3A_176, %broadcast_in_dim3A_488, %broadcast_in_dim3A_489 : vector<16xi1>, vector<16xi32>
    %eq3A_491 = arith.constant 2 : i32
    %eq3A_492 = vector.broadcast %eq3A_491 : i32 to vector<16xi32>
    %eq3A_493 = arith.cmpi eq, %iota3A, %eq3A_492 : vector<16xi32>
    %jit3A_494 = arith.constant 208 : i32
    %jit3A_495 = arith.constant 160 : i32
    %broadcast_in_dim3A_496 = vector.broadcast %jit3A_494 : i32 to vector<16xi32>
    %broadcast_in_dim3A_497 = vector.broadcast %jit3A_495 : i32 to vector<16xi32>
    %select_n3A_498 = arith.select %eq3A_493, %broadcast_in_dim3A_496, %broadcast_in_dim3A_497 : vector<16xi1>, vector<16xi32>
    %eq3A_499 = arith.constant 2 : i32
    %eq3A_500 = vector.broadcast %eq3A_499 : i32 to vector<16xi32>
    %eq3A_501 = arith.cmpi eq, %iota3A, %eq3A_500 : vector<16xi32>
    %jit3A_502 = arith.constant 224 : i32
    %jit3A_503 = arith.constant 176 : i32
    %broadcast_in_dim3A_504 = vector.broadcast %jit3A_502 : i32 to vector<16xi32>
    %broadcast_in_dim3A_505 = vector.broadcast %jit3A_503 : i32 to vector<16xi32>
    %select_n3A_506 = arith.select %eq3A_501, %broadcast_in_dim3A_504, %broadcast_in_dim3A_505 : vector<16xi1>, vector<16xi32>
    %eq3A_507 = arith.constant 2 : i32
    %eq3A_508 = vector.broadcast %eq3A_507 : i32 to vector<16xi32>
    %eq3A_509 = arith.cmpi eq, %iota3A, %eq3A_508 : vector<16xi32>
    %jit3A_510 = arith.constant 240 : i32
    %jit3A_511 = arith.constant 192 : i32
    %broadcast_in_dim3A_512 = vector.broadcast %jit3A_510 : i32 to vector<16xi32>
    %broadcast_in_dim3A_513 = vector.broadcast %jit3A_511 : i32 to vector<16xi32>
    %select_n3A_514 = arith.select %eq3A_509, %broadcast_in_dim3A_512, %broadcast_in_dim3A_513 : vector<16xi1>, vector<16xi32>
    %broadcast_in_dim3A_515 = arith.constant 0.000000e+00 : f32
    %broadcast_in_dim3A_516 = vector.broadcast %broadcast_in_dim3A_515 : f32 to vector<16xf32>
    %broadcast_in_dim3A_517 = arith.constant 0.000000e+00 : f32
    %broadcast_in_dim3A_518 = vector.broadcast %broadcast_in_dim3A_517 : f32 to vector<16xf32>
    %add3A_519 = arith.constant 0 : i32
    %add3A_520 = vector.broadcast %add3A_519 : i32 to vector<16xi32>
    %add3A_521 = arith.addi %select_n3A_490, %add3A_520 : vector<16xi32>
    %gather3A_522 = tpu.vector_load_idx %arg26[%add3A_521] : memref<256xf32, #tpu.memory_space<vmem>>[vector<16xi32>], vector<16xf32>,
    %add3A_523 = arith.constant 0 : i32
    %add3A_524 = vector.broadcast %add3A_523 : i32 to vector<16xi32>
    %add3A_525 = arith.addi %select_n3A_480, %add3A_524 : vector<16xi32>
    %gather3A_526 = tpu.vector_load_idx %arg26[%add3A_525] : memref<256xf32, #tpu.memory_space<vmem>>[vector<16xi32>], vector<16xf32>,
    %mul3A_527 = arith.mulf %select_n3A_456, %gather3A_526 : vector<16xf32>
    %add3A_528 = arith.constant 0 : i32
    %add3A_529 = vector.broadcast %add3A_528 : i32 to vector<16xi32>
    %add3A_530 = arith.addi %select_n3A_485, %add3A_529 : vector<16xi32>
    %gather3A_531 = tpu.vector_load_idx %arg26[%add3A_530] : memref<256xf32, #tpu.memory_space<vmem>>[vector<16xi32>], vector<16xf32>,
    %add3A_532 = arith.addf %mul3A_527, %gather3A_531 : vector<16xf32>
    %neg3A = arith.constant 0.000000e+00 : f32
    %neg3A_533 = vector.broadcast %neg3A : f32 to vector<16xf32>
    %neg3A_534 = arith.subf %neg3A_533, %add3A_532 : vector<16xf32>
    %exp3A = math.exp %neg3A_534 : vector<16xf32>
    %mul3A_535 = arith.mulf %gather3A_522, %exp3A : vector<16xf32>
    %add3A_536 = arith.addf %broadcast_in_dim3A_516, %mul3A_535 : vector<16xf32>
    %add3A_537 = arith.constant 0 : i32
    %add3A_538 = vector.broadcast %add3A_537 : i32 to vector<16xi32>
    %add3A_539 = arith.addi %select_n3A_514, %add3A_538 : vector<16xi32>
    %gather3A_540 = tpu.vector_load_idx %arg26[%add3A_539] : memref<256xf32, #tpu.memory_space<vmem>>[vector<16xi32>], vector<16xf32>,
    %add3A_541 = arith.constant 0 : i32
    %add3A_542 = vector.broadcast %add3A_541 : i32 to vector<16xi32>
    %add3A_543 = arith.addi %select_n3A_498, %add3A_542 : vector<16xi32>
    %gather3A_544 = tpu.vector_load_idx %arg26[%add3A_543] : memref<256xf32, #tpu.memory_space<vmem>>[vector<16xi32>], vector<16xf32>,
    %mul3A_545 = arith.mulf %select_n3A_475, %gather3A_544 : vector<16xf32>
    %add3A_546 = arith.constant 0 : i32
    %add3A_547 = vector.broadcast %add3A_546 : i32 to vector<16xi32>
    %add3A_548 = arith.addi %select_n3A_506, %add3A_547 : vector<16xi32>
    %gather3A_549 = tpu.vector_load_idx %arg26[%add3A_548] : memref<256xf32, #tpu.memory_space<vmem>>[vector<16xi32>], vector<16xf32>,
    %add3A_550 = arith.addf %mul3A_545, %gather3A_549 : vector<16xf32>
    %neg3A_551 = arith.constant 0.000000e+00 : f32
    %neg3A_552 = vector.broadcast %neg3A_551 : f32 to vector<16xf32>
    %neg3A_553 = arith.subf %neg3A_552, %add3A_550 : vector<16xf32>
    %exp3A_554 = math.exp %neg3A_553 : vector<16xf32>
    %mul3A_555 = arith.mulf %gather3A_540, %exp3A_554 : vector<16xf32>
    %add3A_556 = arith.addf %broadcast_in_dim3A_518, %mul3A_555 : vector<16xf32>
    %add3A_557 = arith.constant 1 : i32
    %add3A_558 = vector.broadcast %add3A_557 : i32 to vector<16xi32>
    %add3A_559 = arith.addi %select_n3A_490, %add3A_558 : vector<16xi32>
    %gather3A_560 = tpu.vector_load_idx %arg26[%add3A_559] : memref<256xf32, #tpu.memory_space<vmem>>[vector<16xi32>], vector<16xf32>,
    %add3A_561 = arith.constant 1 : i32
    %add3A_562 = vector.broadcast %add3A_561 : i32 to vector<16xi32>
    %add3A_563 = arith.addi %select_n3A_480, %add3A_562 : vector<16xi32>
    %gather3A_564 = tpu.vector_load_idx %arg26[%add3A_563] : memref<256xf32, #tpu.memory_space<vmem>>[vector<16xi32>], vector<16xf32>,
    %mul3A_565 = arith.mulf %select_n3A_456, %gather3A_564 : vector<16xf32>
    %add3A_566 = arith.constant 1 : i32
    %add3A_567 = vector.broadcast %add3A_566 : i32 to vector<16xi32>
    %add3A_568 = arith.addi %select_n3A_485, %add3A_567 : vector<16xi32>
    %gather3A_569 = tpu.vector_load_idx %arg26[%add3A_568] : memref<256xf32, #tpu.memory_space<vmem>>[vector<16xi32>], vector<16xf32>,
    %add3A_570 = arith.addf %mul3A_565, %gather3A_569 : vector<16xf32>
    %neg3A_571 = arith.constant 0.000000e+00 : f32
    %neg3A_572 = vector.broadcast %neg3A_571 : f32 to vector<16xf32>
    %neg3A_573 = arith.subf %neg3A_572, %add3A_570 : vector<16xf32>
    %exp3A_574 = math.exp %neg3A_573 : vector<16xf32>
    %mul3A_575 = arith.mulf %gather3A_560, %exp3A_574 : vector<16xf32>
    %add3A_576 = arith.addf %add3A_536, %mul3A_575 : vector<16xf32>
    %add3A_577 = arith.constant 1 : i32
    %add3A_578 = vector.broadcast %add3A_577 : i32 to vector<16xi32>
    %add3A_579 = arith.addi %select_n3A_514, %add3A_578 : vector<16xi32>
    %gather3A_580 = tpu.vector_load_idx %arg26[%add3A_579] : memref<256xf32, #tpu.memory_space<vmem>>[vector<16xi32>], vector<16xf32>,
    %add3A_581 = arith.constant 1 : i32
    %add3A_582 = vector.broadcast %add3A_581 : i32 to vector<16xi32>
    %add3A_583 = arith.addi %select_n3A_498, %add3A_582 : vector<16xi32>
    %gather3A_584 = tpu.vector_load_idx %arg26[%add3A_583] : memref<256xf32, #tpu.memory_space<vmem>>[vector<16xi32>], vector<16xf32>,
    %mul3A_585 = arith.mulf %select_n3A_475, %gather3A_584 : vector<16xf32>
    %add3A_586 = arith.constant 1 : i32
    %add3A_587 = vector.broadcast %add3A_586 : i32 to vector<16xi32>
    %add3A_588 = arith.addi %select_n3A_506, %add3A_587 : vector<16xi32>
    %gather3A_589 = tpu.vector_load_idx %arg26[%add3A_588] : memref<256xf32, #tpu.memory_space<vmem>>[vector<16xi32>], vector<16xf32>,
    %add3A_590 = arith.addf %mul3A_585, %gather3A_589 : vector<16xf32>
    %neg3A_591 = arith.constant 0.000000e+00 : f32
    %neg3A_592 = vector.broadcast %neg3A_591 : f32 to vector<16xf32>
    %neg3A_593 = arith.subf %neg3A_592, %add3A_590 : vector<16xf32>
    %exp3A_594 = math.exp %neg3A_593 : vector<16xf32>
    %mul3A_595 = arith.mulf %gather3A_580, %exp3A_594 : vector<16xf32>
    %add3A_596 = arith.addf %add3A_556, %mul3A_595 : vector<16xf32>
    %add3A_597 = arith.constant 2 : i32
    %add3A_598 = vector.broadcast %add3A_597 : i32 to vector<16xi32>
    %add3A_599 = arith.addi %select_n3A_490, %add3A_598 : vector<16xi32>
    %gather3A_600 = tpu.vector_load_idx %arg26[%add3A_599] : memref<256xf32, #tpu.memory_space<vmem>>[vector<16xi32>], vector<16xf32>,
    %add3A_601 = arith.constant 2 : i32
    %add3A_602 = vector.broadcast %add3A_601 : i32 to vector<16xi32>
    %add3A_603 = arith.addi %select_n3A_480, %add3A_602 : vector<16xi32>
    %gather3A_604 = tpu.vector_load_idx %arg26[%add3A_603] : memref<256xf32, #tpu.memory_space<vmem>>[vector<16xi32>], vector<16xf32>,
    %mul3A_605 = arith.mulf %select_n3A_456, %gather3A_604 : vector<16xf32>
    %add3A_606 = arith.constant 2 : i32
    %add3A_607 = vector.broadcast %add3A_606 : i32 to vector<16xi32>
    %add3A_608 = arith.addi %select_n3A_485, %add3A_607 : vector<16xi32>
    %gather3A_609 = tpu.vector_load_idx %arg26[%add3A_608] : memref<256xf32, #tpu.memory_space<vmem>>[vector<16xi32>], vector<16xf32>,
    %add3A_610 = arith.addf %mul3A_605, %gather3A_609 : vector<16xf32>
    %neg3A_611 = arith.constant 0.000000e+00 : f32
    %neg3A_612 = vector.broadcast %neg3A_611 : f32 to vector<16xf32>
    %neg3A_613 = arith.subf %neg3A_612, %add3A_610 : vector<16xf32>
    %exp3A_614 = math.exp %neg3A_613 : vector<16xf32>
    %mul3A_615 = arith.mulf %gather3A_600, %exp3A_614 : vector<16xf32>
    %add3A_616 = arith.addf %add3A_576, %mul3A_615 : vector<16xf32>
    %add3A_617 = arith.constant 2 : i32
    %add3A_618 = vector.broadcast %add3A_617 : i32 to vector<16xi32>
    %add3A_619 = arith.addi %select_n3A_514, %add3A_618 : vector<16xi32>
    %gather3A_620 = tpu.vector_load_idx %arg26[%add3A_619] : memref<256xf32, #tpu.memory_space<vmem>>[vector<16xi32>], vector<16xf32>,
    %add3A_621 = arith.constant 2 : i32
    %add3A_622 = vector.broadcast %add3A_621 : i32 to vector<16xi32>
    %add3A_623 = arith.addi %select_n3A_498, %add3A_622 : vector<16xi32>
    %gather3A_624 = tpu.vector_load_idx %arg26[%add3A_623] : memref<256xf32, #tpu.memory_space<vmem>>[vector<16xi32>], vector<16xf32>,
    %mul3A_625 = arith.mulf %select_n3A_475, %gather3A_624 : vector<16xf32>
    %add3A_626 = arith.constant 2 : i32
    %add3A_627 = vector.broadcast %add3A_626 : i32 to vector<16xi32>
    %add3A_628 = arith.addi %select_n3A_506, %add3A_627 : vector<16xi32>
    %gather3A_629 = tpu.vector_load_idx %arg26[%add3A_628] : memref<256xf32, #tpu.memory_space<vmem>>[vector<16xi32>], vector<16xf32>,
    %add3A_630 = arith.addf %mul3A_625, %gather3A_629 : vector<16xf32>
    %neg3A_631 = arith.constant 0.000000e+00 : f32
    %neg3A_632 = vector.broadcast %neg3A_631 : f32 to vector<16xf32>
    %neg3A_633 = arith.subf %neg3A_632, %add3A_630 : vector<16xf32>
    %exp3A_634 = math.exp %neg3A_633 : vector<16xf32>
    %mul3A_635 = arith.mulf %gather3A_620, %exp3A_634 : vector<16xf32>
    %add3A_636 = arith.addf %add3A_596, %mul3A_635 : vector<16xf32>
    %add3A_637 = arith.constant 3 : i32
    %add3A_638 = vector.broadcast %add3A_637 : i32 to vector<16xi32>
    %add3A_639 = arith.addi %select_n3A_490, %add3A_638 : vector<16xi32>
    %gather3A_640 = tpu.vector_load_idx %arg26[%add3A_639] : memref<256xf32, #tpu.memory_space<vmem>>[vector<16xi32>], vector<16xf32>,
    %add3A_641 = arith.constant 3 : i32
    %add3A_642 = vector.broadcast %add3A_641 : i32 to vector<16xi32>
    %add3A_643 = arith.addi %select_n3A_480, %add3A_642 : vector<16xi32>
    %gather3A_644 = tpu.vector_load_idx %arg26[%add3A_643] : memref<256xf32, #tpu.memory_space<vmem>>[vector<16xi32>], vector<16xf32>,
    %mul3A_645 = arith.mulf %select_n3A_456, %gather3A_644 : vector<16xf32>
    %add3A_646 = arith.constant 3 : i32
    %add3A_647 = vector.broadcast %add3A_646 : i32 to vector<16xi32>
    %add3A_648 = arith.addi %select_n3A_485, %add3A_647 : vector<16xi32>
    %gather3A_649 = tpu.vector_load_idx %arg26[%add3A_648] : memref<256xf32, #tpu.memory_space<vmem>>[vector<16xi32>], vector<16xf32>,
    %add3A_650 = arith.addf %mul3A_645, %gather3A_649 : vector<16xf32>
    %neg3A_651 = arith.constant 0.000000e+00 : f32
    %neg3A_652 = vector.broadcast %neg3A_651 : f32 to vector<16xf32>
    %neg3A_653 = arith.subf %neg3A_652, %add3A_650 : vector<16xf32>
    %exp3A_654 = math.exp %neg3A_653 : vector<16xf32>
    %mul3A_655 = arith.mulf %gather3A_640, %exp3A_654 : vector<16xf32>
    %add3A_656 = arith.addf %add3A_616, %mul3A_655 : vector<16xf32>
    %add3A_657 = arith.constant 3 : i32
    %add3A_658 = vector.broadcast %add3A_657 : i32 to vector<16xi32>
    %add3A_659 = arith.addi %select_n3A_514, %add3A_658 : vector<16xi32>
    %gather3A_660 = tpu.vector_load_idx %arg26[%add3A_659] : memref<256xf32, #tpu.memory_space<vmem>>[vector<16xi32>], vector<16xf32>,
    %add3A_661 = arith.constant 3 : i32
    %add3A_662 = vector.broadcast %add3A_661 : i32 to vector<16xi32>
    %add3A_663 = arith.addi %select_n3A_498, %add3A_662 : vector<16xi32>
    %gather3A_664 = tpu.vector_load_idx %arg26[%add3A_663] : memref<256xf32, #tpu.memory_space<vmem>>[vector<16xi32>], vector<16xf32>,
    %mul3A_665 = arith.mulf %select_n3A_475, %gather3A_664 : vector<16xf32>
    %add3A_666 = arith.constant 3 : i32
    %add3A_667 = vector.broadcast %add3A_666 : i32 to vector<16xi32>
    %add3A_668 = arith.addi %select_n3A_506, %add3A_667 : vector<16xi32>
    %gather3A_669 = tpu.vector_load_idx %arg26[%add3A_668] : memref<256xf32, #tpu.memory_space<vmem>>[vector<16xi32>], vector<16xf32>,
    %add3A_670 = arith.addf %mul3A_665, %gather3A_669 : vector<16xf32>
    %neg3A_671 = arith.constant 0.000000e+00 : f32
    %neg3A_672 = vector.broadcast %neg3A_671 : f32 to vector<16xf32>
    %neg3A_673 = arith.subf %neg3A_672, %add3A_670 : vector<16xf32>
    %exp3A_674 = math.exp %neg3A_673 : vector<16xf32>
    %mul3A_675 = arith.mulf %gather3A_660, %exp3A_674 : vector<16xf32>
    %add3A_676 = arith.addf %add3A_636, %mul3A_675 : vector<16xf32>
    %add3A_677 = arith.constant 4 : i32
    %add3A_678 = vector.broadcast %add3A_677 : i32 to vector<16xi32>
    %add3A_679 = arith.addi %select_n3A_490, %add3A_678 : vector<16xi32>
    %gather3A_680 = tpu.vector_load_idx %arg26[%add3A_679] : memref<256xf32, #tpu.memory_space<vmem>>[vector<16xi32>], vector<16xf32>,
    %add3A_681 = arith.constant 4 : i32
    %add3A_682 = vector.broadcast %add3A_681 : i32 to vector<16xi32>
    %add3A_683 = arith.addi %select_n3A_480, %add3A_682 : vector<16xi32>
    %gather3A_684 = tpu.vector_load_idx %arg26[%add3A_683] : memref<256xf32, #tpu.memory_space<vmem>>[vector<16xi32>], vector<16xf32>,
    %mul3A_685 = arith.mulf %select_n3A_456, %gather3A_684 : vector<16xf32>
    %add3A_686 = arith.constant 4 : i32
    %add3A_687 = vector.broadcast %add3A_686 : i32 to vector<16xi32>
    %add3A_688 = arith.addi %select_n3A_485, %add3A_687 : vector<16xi32>
    %gather3A_689 = tpu.vector_load_idx %arg26[%add3A_688] : memref<256xf32, #tpu.memory_space<vmem>>[vector<16xi32>], vector<16xf32>,
    %add3A_690 = arith.addf %mul3A_685, %gather3A_689 : vector<16xf32>
    %neg3A_691 = arith.constant 0.000000e+00 : f32
    %neg3A_692 = vector.broadcast %neg3A_691 : f32 to vector<16xf32>
    %neg3A_693 = arith.subf %neg3A_692, %add3A_690 : vector<16xf32>
    %exp3A_694 = math.exp %neg3A_693 : vector<16xf32>
    %mul3A_695 = arith.mulf %gather3A_680, %exp3A_694 : vector<16xf32>
    %add3A_696 = arith.addf %add3A_656, %mul3A_695 : vector<16xf32>
    %add3A_697 = arith.constant 4 : i32
    %add3A_698 = vector.broadcast %add3A_697 : i32 to vector<16xi32>
    %add3A_699 = arith.addi %select_n3A_514, %add3A_698 : vector<16xi32>
    %gather3A_700 = tpu.vector_load_idx %arg26[%add3A_699] : memref<256xf32, #tpu.memory_space<vmem>>[vector<16xi32>], vector<16xf32>,
    %add3A_701 = arith.constant 4 : i32
    %add3A_702 = vector.broadcast %add3A_701 : i32 to vector<16xi32>
    %add3A_703 = arith.addi %select_n3A_498, %add3A_702 : vector<16xi32>
    %gather3A_704 = tpu.vector_load_idx %arg26[%add3A_703] : memref<256xf32, #tpu.memory_space<vmem>>[vector<16xi32>], vector<16xf32>,
    %mul3A_705 = arith.mulf %select_n3A_475, %gather3A_704 : vector<16xf32>
    %add3A_706 = arith.constant 4 : i32
    %add3A_707 = vector.broadcast %add3A_706 : i32 to vector<16xi32>
    %add3A_708 = arith.addi %select_n3A_506, %add3A_707 : vector<16xi32>
    %gather3A_709 = tpu.vector_load_idx %arg26[%add3A_708] : memref<256xf32, #tpu.memory_space<vmem>>[vector<16xi32>], vector<16xf32>,
    %add3A_710 = arith.addf %mul3A_705, %gather3A_709 : vector<16xf32>
    %neg3A_711 = arith.constant 0.000000e+00 : f32
    %neg3A_712 = vector.broadcast %neg3A_711 : f32 to vector<16xf32>
    %neg3A_713 = arith.subf %neg3A_712, %add3A_710 : vector<16xf32>
    %exp3A_714 = math.exp %neg3A_713 : vector<16xf32>
    %mul3A_715 = arith.mulf %gather3A_700, %exp3A_714 : vector<16xf32>
    %add3A_716 = arith.addf %add3A_676, %mul3A_715 : vector<16xf32>
    %add3A_717 = arith.constant 5 : i32
    %add3A_718 = vector.broadcast %add3A_717 : i32 to vector<16xi32>
    %add3A_719 = arith.addi %select_n3A_490, %add3A_718 : vector<16xi32>
    %gather3A_720 = tpu.vector_load_idx %arg26[%add3A_719] : memref<256xf32, #tpu.memory_space<vmem>>[vector<16xi32>], vector<16xf32>,
    %add3A_721 = arith.constant 5 : i32
    %add3A_722 = vector.broadcast %add3A_721 : i32 to vector<16xi32>
    %add3A_723 = arith.addi %select_n3A_480, %add3A_722 : vector<16xi32>
    %gather3A_724 = tpu.vector_load_idx %arg26[%add3A_723] : memref<256xf32, #tpu.memory_space<vmem>>[vector<16xi32>], vector<16xf32>,
    %mul3A_725 = arith.mulf %select_n3A_456, %gather3A_724 : vector<16xf32>
    %add3A_726 = arith.constant 5 : i32
    %add3A_727 = vector.broadcast %add3A_726 : i32 to vector<16xi32>
    %add3A_728 = arith.addi %select_n3A_485, %add3A_727 : vector<16xi32>
    %gather3A_729 = tpu.vector_load_idx %arg26[%add3A_728] : memref<256xf32, #tpu.memory_space<vmem>>[vector<16xi32>], vector<16xf32>,
    %add3A_730 = arith.addf %mul3A_725, %gather3A_729 : vector<16xf32>
    %neg3A_731 = arith.constant 0.000000e+00 : f32
    %neg3A_732 = vector.broadcast %neg3A_731 : f32 to vector<16xf32>
    %neg3A_733 = arith.subf %neg3A_732, %add3A_730 : vector<16xf32>
    %exp3A_734 = math.exp %neg3A_733 : vector<16xf32>
    %mul3A_735 = arith.mulf %gather3A_720, %exp3A_734 : vector<16xf32>
    %add3A_736 = arith.addf %add3A_696, %mul3A_735 : vector<16xf32>
    %add3A_737 = arith.constant 5 : i32
    %add3A_738 = vector.broadcast %add3A_737 : i32 to vector<16xi32>
    %add3A_739 = arith.addi %select_n3A_514, %add3A_738 : vector<16xi32>
    %gather3A_740 = tpu.vector_load_idx %arg26[%add3A_739] : memref<256xf32, #tpu.memory_space<vmem>>[vector<16xi32>], vector<16xf32>,
    %add3A_741 = arith.constant 5 : i32
    %add3A_742 = vector.broadcast %add3A_741 : i32 to vector<16xi32>
    %add3A_743 = arith.addi %select_n3A_498, %add3A_742 : vector<16xi32>
    %gather3A_744 = tpu.vector_load_idx %arg26[%add3A_743] : memref<256xf32, #tpu.memory_space<vmem>>[vector<16xi32>], vector<16xf32>,
    %mul3A_745 = arith.mulf %select_n3A_475, %gather3A_744 : vector<16xf32>
    %add3A_746 = arith.constant 5 : i32
    %add3A_747 = vector.broadcast %add3A_746 : i32 to vector<16xi32>
    %add3A_748 = arith.addi %select_n3A_506, %add3A_747 : vector<16xi32>
    %gather3A_749 = tpu.vector_load_idx %arg26[%add3A_748] : memref<256xf32, #tpu.memory_space<vmem>>[vector<16xi32>], vector<16xf32>,
    %add3A_750 = arith.addf %mul3A_745, %gather3A_749 : vector<16xf32>
    %neg3A_751 = arith.constant 0.000000e+00 : f32
    %neg3A_752 = vector.broadcast %neg3A_751 : f32 to vector<16xf32>
    %neg3A_753 = arith.subf %neg3A_752, %add3A_750 : vector<16xf32>
    %exp3A_754 = math.exp %neg3A_753 : vector<16xf32>
    %mul3A_755 = arith.mulf %gather3A_740, %exp3A_754 : vector<16xf32>
    %add3A_756 = arith.addf %add3A_716, %mul3A_755 : vector<16xf32>
    %add3A_757 = arith.constant 6 : i32
    %add3A_758 = vector.broadcast %add3A_757 : i32 to vector<16xi32>
    %add3A_759 = arith.addi %select_n3A_490, %add3A_758 : vector<16xi32>
    %gather3A_760 = tpu.vector_load_idx %arg26[%add3A_759] : memref<256xf32, #tpu.memory_space<vmem>>[vector<16xi32>], vector<16xf32>,
    %add3A_761 = arith.constant 6 : i32
    %add3A_762 = vector.broadcast %add3A_761 : i32 to vector<16xi32>
    %add3A_763 = arith.addi %select_n3A_480, %add3A_762 : vector<16xi32>
    %gather3A_764 = tpu.vector_load_idx %arg26[%add3A_763] : memref<256xf32, #tpu.memory_space<vmem>>[vector<16xi32>], vector<16xf32>,
    %mul3A_765 = arith.mulf %select_n3A_456, %gather3A_764 : vector<16xf32>
    %add3A_766 = arith.constant 6 : i32
    %add3A_767 = vector.broadcast %add3A_766 : i32 to vector<16xi32>
    %add3A_768 = arith.addi %select_n3A_485, %add3A_767 : vector<16xi32>
    %gather3A_769 = tpu.vector_load_idx %arg26[%add3A_768] : memref<256xf32, #tpu.memory_space<vmem>>[vector<16xi32>], vector<16xf32>,
    %add3A_770 = arith.addf %mul3A_765, %gather3A_769 : vector<16xf32>
    %neg3A_771 = arith.constant 0.000000e+00 : f32
    %neg3A_772 = vector.broadcast %neg3A_771 : f32 to vector<16xf32>
    %neg3A_773 = arith.subf %neg3A_772, %add3A_770 : vector<16xf32>
    %exp3A_774 = math.exp %neg3A_773 : vector<16xf32>
    %mul3A_775 = arith.mulf %gather3A_760, %exp3A_774 : vector<16xf32>
    %add3A_776 = arith.addf %add3A_736, %mul3A_775 : vector<16xf32>
    %add3A_777 = arith.constant 6 : i32
    %add3A_778 = vector.broadcast %add3A_777 : i32 to vector<16xi32>
    %add3A_779 = arith.addi %select_n3A_514, %add3A_778 : vector<16xi32>
    %gather3A_780 = tpu.vector_load_idx %arg26[%add3A_779] : memref<256xf32, #tpu.memory_space<vmem>>[vector<16xi32>], vector<16xf32>,
    %add3A_781 = arith.constant 6 : i32
    %add3A_782 = vector.broadcast %add3A_781 : i32 to vector<16xi32>
    %add3A_783 = arith.addi %select_n3A_498, %add3A_782 : vector<16xi32>
    %gather3A_784 = tpu.vector_load_idx %arg26[%add3A_783] : memref<256xf32, #tpu.memory_space<vmem>>[vector<16xi32>], vector<16xf32>,
    %mul3A_785 = arith.mulf %select_n3A_475, %gather3A_784 : vector<16xf32>
    %add3A_786 = arith.constant 6 : i32
    %add3A_787 = vector.broadcast %add3A_786 : i32 to vector<16xi32>
    %add3A_788 = arith.addi %select_n3A_506, %add3A_787 : vector<16xi32>
    %gather3A_789 = tpu.vector_load_idx %arg26[%add3A_788] : memref<256xf32, #tpu.memory_space<vmem>>[vector<16xi32>], vector<16xf32>,
    %add3A_790 = arith.addf %mul3A_785, %gather3A_789 : vector<16xf32>
    %neg3A_791 = arith.constant 0.000000e+00 : f32
    %neg3A_792 = vector.broadcast %neg3A_791 : f32 to vector<16xf32>
    %neg3A_793 = arith.subf %neg3A_792, %add3A_790 : vector<16xf32>
    %exp3A_794 = math.exp %neg3A_793 : vector<16xf32>
    %mul3A_795 = arith.mulf %gather3A_780, %exp3A_794 : vector<16xf32>
    %add3A_796 = arith.addf %add3A_756, %mul3A_795 : vector<16xf32>
    %add3A_797 = arith.constant 7 : i32
    %add3A_798 = vector.broadcast %add3A_797 : i32 to vector<16xi32>
    %add3A_799 = arith.addi %select_n3A_490, %add3A_798 : vector<16xi32>
    %gather3A_800 = tpu.vector_load_idx %arg26[%add3A_799] : memref<256xf32, #tpu.memory_space<vmem>>[vector<16xi32>], vector<16xf32>,
    %add3A_801 = arith.constant 7 : i32
    %add3A_802 = vector.broadcast %add3A_801 : i32 to vector<16xi32>
    %add3A_803 = arith.addi %select_n3A_480, %add3A_802 : vector<16xi32>
    %gather3A_804 = tpu.vector_load_idx %arg26[%add3A_803] : memref<256xf32, #tpu.memory_space<vmem>>[vector<16xi32>], vector<16xf32>,
    %mul3A_805 = arith.mulf %select_n3A_456, %gather3A_804 : vector<16xf32>
    %add3A_806 = arith.constant 7 : i32
    %add3A_807 = vector.broadcast %add3A_806 : i32 to vector<16xi32>
    %add3A_808 = arith.addi %select_n3A_485, %add3A_807 : vector<16xi32>
    %gather3A_809 = tpu.vector_load_idx %arg26[%add3A_808] : memref<256xf32, #tpu.memory_space<vmem>>[vector<16xi32>], vector<16xf32>,
    %add3A_810 = arith.addf %mul3A_805, %gather3A_809 : vector<16xf32>
    %neg3A_811 = arith.constant 0.000000e+00 : f32
    %neg3A_812 = vector.broadcast %neg3A_811 : f32 to vector<16xf32>
    %neg3A_813 = arith.subf %neg3A_812, %add3A_810 : vector<16xf32>
    %exp3A_814 = math.exp %neg3A_813 : vector<16xf32>
    %mul3A_815 = arith.mulf %gather3A_800, %exp3A_814 : vector<16xf32>
    %add3A_816 = arith.addf %add3A_776, %mul3A_815 : vector<16xf32>
    %add3A_817 = arith.constant 7 : i32
    %add3A_818 = vector.broadcast %add3A_817 : i32 to vector<16xi32>
    %add3A_819 = arith.addi %select_n3A_514, %add3A_818 : vector<16xi32>
    %gather3A_820 = tpu.vector_load_idx %arg26[%add3A_819] : memref<256xf32, #tpu.memory_space<vmem>>[vector<16xi32>], vector<16xf32>,
    %add3A_821 = arith.constant 7 : i32
    %add3A_822 = vector.broadcast %add3A_821 : i32 to vector<16xi32>
    %add3A_823 = arith.addi %select_n3A_498, %add3A_822 : vector<16xi32>
    %gather3A_824 = tpu.vector_load_idx %arg26[%add3A_823] : memref<256xf32, #tpu.memory_space<vmem>>[vector<16xi32>], vector<16xf32>,
    %mul3A_825 = arith.mulf %select_n3A_475, %gather3A_824 : vector<16xf32>
    %add3A_826 = arith.constant 7 : i32
    %add3A_827 = vector.broadcast %add3A_826 : i32 to vector<16xi32>
    %add3A_828 = arith.addi %select_n3A_506, %add3A_827 : vector<16xi32>
    %gather3A_829 = tpu.vector_load_idx %arg26[%add3A_828] : memref<256xf32, #tpu.memory_space<vmem>>[vector<16xi32>], vector<16xf32>,
    %add3A_830 = arith.addf %mul3A_825, %gather3A_829 : vector<16xf32>
    %neg3A_831 = arith.constant 0.000000e+00 : f32
    %neg3A_832 = vector.broadcast %neg3A_831 : f32 to vector<16xf32>
    %neg3A_833 = arith.subf %neg3A_832, %add3A_830 : vector<16xf32>
    %exp3A_834 = math.exp %neg3A_833 : vector<16xf32>
    %mul3A_835 = arith.mulf %gather3A_820, %exp3A_834 : vector<16xf32>
    %add3A_836 = arith.addf %add3A_796, %mul3A_835 : vector<16xf32>
    %add3A_837 = arith.constant 8 : i32
    %add3A_838 = vector.broadcast %add3A_837 : i32 to vector<16xi32>
    %add3A_839 = arith.addi %select_n3A_490, %add3A_838 : vector<16xi32>
    %gather3A_840 = tpu.vector_load_idx %arg26[%add3A_839] : memref<256xf32, #tpu.memory_space<vmem>>[vector<16xi32>], vector<16xf32>,
    %add3A_841 = arith.constant 8 : i32
    %add3A_842 = vector.broadcast %add3A_841 : i32 to vector<16xi32>
    %add3A_843 = arith.addi %select_n3A_480, %add3A_842 : vector<16xi32>
    %gather3A_844 = tpu.vector_load_idx %arg26[%add3A_843] : memref<256xf32, #tpu.memory_space<vmem>>[vector<16xi32>], vector<16xf32>,
    %mul3A_845 = arith.mulf %select_n3A_456, %gather3A_844 : vector<16xf32>
    %add3A_846 = arith.constant 8 : i32
    %add3A_847 = vector.broadcast %add3A_846 : i32 to vector<16xi32>
    %add3A_848 = arith.addi %select_n3A_485, %add3A_847 : vector<16xi32>
    %gather3A_849 = tpu.vector_load_idx %arg26[%add3A_848] : memref<256xf32, #tpu.memory_space<vmem>>[vector<16xi32>], vector<16xf32>,
    %add3A_850 = arith.addf %mul3A_845, %gather3A_849 : vector<16xf32>
    %neg3A_851 = arith.constant 0.000000e+00 : f32
    %neg3A_852 = vector.broadcast %neg3A_851 : f32 to vector<16xf32>
    %neg3A_853 = arith.subf %neg3A_852, %add3A_850 : vector<16xf32>
    %exp3A_854 = math.exp %neg3A_853 : vector<16xf32>
    %mul3A_855 = arith.mulf %gather3A_840, %exp3A_854 : vector<16xf32>
    %add3A_856 = arith.addf %add3A_816, %mul3A_855 : vector<16xf32>
    %add3A_857 = arith.constant 8 : i32
    %add3A_858 = vector.broadcast %add3A_857 : i32 to vector<16xi32>
    %add3A_859 = arith.addi %select_n3A_514, %add3A_858 : vector<16xi32>
    %gather3A_860 = tpu.vector_load_idx %arg26[%add3A_859] : memref<256xf32, #tpu.memory_space<vmem>>[vector<16xi32>], vector<16xf32>,
    %add3A_861 = arith.constant 8 : i32
    %add3A_862 = vector.broadcast %add3A_861 : i32 to vector<16xi32>
    %add3A_863 = arith.addi %select_n3A_498, %add3A_862 : vector<16xi32>
    %gather3A_864 = tpu.vector_load_idx %arg26[%add3A_863] : memref<256xf32, #tpu.memory_space<vmem>>[vector<16xi32>], vector<16xf32>,
    %mul3A_865 = arith.mulf %select_n3A_475, %gather3A_864 : vector<16xf32>
    %add3A_866 = arith.constant 8 : i32
    %add3A_867 = vector.broadcast %add3A_866 : i32 to vector<16xi32>
    %add3A_868 = arith.addi %select_n3A_506, %add3A_867 : vector<16xi32>
    %gather3A_869 = tpu.vector_load_idx %arg26[%add3A_868] : memref<256xf32, #tpu.memory_space<vmem>>[vector<16xi32>], vector<16xf32>,
    %add3A_870 = arith.addf %mul3A_865, %gather3A_869 : vector<16xf32>
    %neg3A_871 = arith.constant 0.000000e+00 : f32
    %neg3A_872 = vector.broadcast %neg3A_871 : f32 to vector<16xf32>
    %neg3A_873 = arith.subf %neg3A_872, %add3A_870 : vector<16xf32>
    %exp3A_874 = math.exp %neg3A_873 : vector<16xf32>
    %mul3A_875 = arith.mulf %gather3A_860, %exp3A_874 : vector<16xf32>
    %add3A_876 = arith.addf %add3A_836, %mul3A_875 : vector<16xf32>
    %add3A_877 = arith.constant 9 : i32
    %add3A_878 = vector.broadcast %add3A_877 : i32 to vector<16xi32>
    %add3A_879 = arith.addi %select_n3A_490, %add3A_878 : vector<16xi32>
    %gather3A_880 = tpu.vector_load_idx %arg26[%add3A_879] : memref<256xf32, #tpu.memory_space<vmem>>[vector<16xi32>], vector<16xf32>,
    %add3A_881 = arith.constant 9 : i32
    %add3A_882 = vector.broadcast %add3A_881 : i32 to vector<16xi32>
    %add3A_883 = arith.addi %select_n3A_480, %add3A_882 : vector<16xi32>
    %gather3A_884 = tpu.vector_load_idx %arg26[%add3A_883] : memref<256xf32, #tpu.memory_space<vmem>>[vector<16xi32>], vector<16xf32>,
    %mul3A_885 = arith.mulf %select_n3A_456, %gather3A_884 : vector<16xf32>
    %add3A_886 = arith.constant 9 : i32
    %add3A_887 = vector.broadcast %add3A_886 : i32 to vector<16xi32>
    %add3A_888 = arith.addi %select_n3A_485, %add3A_887 : vector<16xi32>
    %gather3A_889 = tpu.vector_load_idx %arg26[%add3A_888] : memref<256xf32, #tpu.memory_space<vmem>>[vector<16xi32>], vector<16xf32>,
    %add3A_890 = arith.addf %mul3A_885, %gather3A_889 : vector<16xf32>
    %neg3A_891 = arith.constant 0.000000e+00 : f32
    %neg3A_892 = vector.broadcast %neg3A_891 : f32 to vector<16xf32>
    %neg3A_893 = arith.subf %neg3A_892, %add3A_890 : vector<16xf32>
    %exp3A_894 = math.exp %neg3A_893 : vector<16xf32>
    %mul3A_895 = arith.mulf %gather3A_880, %exp3A_894 : vector<16xf32>
    %add3A_896 = arith.addf %add3A_856, %mul3A_895 : vector<16xf32>
    %add3A_897 = arith.constant 9 : i32
    %add3A_898 = vector.broadcast %add3A_897 : i32 to vector<16xi32>
    %add3A_899 = arith.addi %select_n3A_514, %add3A_898 : vector<16xi32>
    %gather3A_900 = tpu.vector_load_idx %arg26[%add3A_899] : memref<256xf32, #tpu.memory_space<vmem>>[vector<16xi32>], vector<16xf32>,
    %add3A_901 = arith.constant 9 : i32
    %add3A_902 = vector.broadcast %add3A_901 : i32 to vector<16xi32>
    %add3A_903 = arith.addi %select_n3A_498, %add3A_902 : vector<16xi32>
    %gather3A_904 = tpu.vector_load_idx %arg26[%add3A_903] : memref<256xf32, #tpu.memory_space<vmem>>[vector<16xi32>], vector<16xf32>,
    %mul3A_905 = arith.mulf %select_n3A_475, %gather3A_904 : vector<16xf32>
    %add3A_906 = arith.constant 9 : i32
    %add3A_907 = vector.broadcast %add3A_906 : i32 to vector<16xi32>
    %add3A_908 = arith.addi %select_n3A_506, %add3A_907 : vector<16xi32>
    %gather3A_909 = tpu.vector_load_idx %arg26[%add3A_908] : memref<256xf32, #tpu.memory_space<vmem>>[vector<16xi32>], vector<16xf32>,
    %add3A_910 = arith.addf %mul3A_905, %gather3A_909 : vector<16xf32>
    %neg3A_911 = arith.constant 0.000000e+00 : f32
    %neg3A_912 = vector.broadcast %neg3A_911 : f32 to vector<16xf32>
    %neg3A_913 = arith.subf %neg3A_912, %add3A_910 : vector<16xf32>
    %exp3A_914 = math.exp %neg3A_913 : vector<16xf32>
    %mul3A_915 = arith.mulf %gather3A_900, %exp3A_914 : vector<16xf32>
    %add3A_916 = arith.addf %add3A_876, %mul3A_915 : vector<16xf32>
    %add3A_917 = arith.constant 10 : i32
    %add3A_918 = vector.broadcast %add3A_917 : i32 to vector<16xi32>
    %add3A_919 = arith.addi %select_n3A_490, %add3A_918 : vector<16xi32>
    %gather3A_920 = tpu.vector_load_idx %arg26[%add3A_919] : memref<256xf32, #tpu.memory_space<vmem>>[vector<16xi32>], vector<16xf32>,
    %add3A_921 = arith.constant 10 : i32
    %add3A_922 = vector.broadcast %add3A_921 : i32 to vector<16xi32>
    %add3A_923 = arith.addi %select_n3A_480, %add3A_922 : vector<16xi32>
    %gather3A_924 = tpu.vector_load_idx %arg26[%add3A_923] : memref<256xf32, #tpu.memory_space<vmem>>[vector<16xi32>], vector<16xf32>,
    %mul3A_925 = arith.mulf %select_n3A_456, %gather3A_924 : vector<16xf32>
    %add3A_926 = arith.constant 10 : i32
    %add3A_927 = vector.broadcast %add3A_926 : i32 to vector<16xi32>
    %add3A_928 = arith.addi %select_n3A_485, %add3A_927 : vector<16xi32>
    %gather3A_929 = tpu.vector_load_idx %arg26[%add3A_928] : memref<256xf32, #tpu.memory_space<vmem>>[vector<16xi32>], vector<16xf32>,
    %add3A_930 = arith.addf %mul3A_925, %gather3A_929 : vector<16xf32>
    %neg3A_931 = arith.constant 0.000000e+00 : f32
    %neg3A_932 = vector.broadcast %neg3A_931 : f32 to vector<16xf32>
    %neg3A_933 = arith.subf %neg3A_932, %add3A_930 : vector<16xf32>
    %exp3A_934 = math.exp %neg3A_933 : vector<16xf32>
    %mul3A_935 = arith.mulf %gather3A_920, %exp3A_934 : vector<16xf32>
    %add3A_936 = arith.addf %add3A_896, %mul3A_935 : vector<16xf32>
    %add3A_937 = arith.constant 10 : i32
    %add3A_938 = vector.broadcast %add3A_937 : i32 to vector<16xi32>
    %add3A_939 = arith.addi %select_n3A_514, %add3A_938 : vector<16xi32>
    %gather3A_940 = tpu.vector_load_idx %arg26[%add3A_939] : memref<256xf32, #tpu.memory_space<vmem>>[vector<16xi32>], vector<16xf32>,
    %add3A_941 = arith.constant 10 : i32
    %add3A_942 = vector.broadcast %add3A_941 : i32 to vector<16xi32>
    %add3A_943 = arith.addi %select_n3A_498, %add3A_942 : vector<16xi32>
    %gather3A_944 = tpu.vector_load_idx %arg26[%add3A_943] : memref<256xf32, #tpu.memory_space<vmem>>[vector<16xi32>], vector<16xf32>,
    %mul3A_945 = arith.mulf %select_n3A_475, %gather3A_944 : vector<16xf32>
    %add3A_946 = arith.constant 10 : i32
    %add3A_947 = vector.broadcast %add3A_946 : i32 to vector<16xi32>
    %add3A_948 = arith.addi %select_n3A_506, %add3A_947 : vector<16xi32>
    %gather3A_949 = tpu.vector_load_idx %arg26[%add3A_948] : memref<256xf32, #tpu.memory_space<vmem>>[vector<16xi32>], vector<16xf32>,
    %add3A_950 = arith.addf %mul3A_945, %gather3A_949 : vector<16xf32>
    %neg3A_951 = arith.constant 0.000000e+00 : f32
    %neg3A_952 = vector.broadcast %neg3A_951 : f32 to vector<16xf32>
    %neg3A_953 = arith.subf %neg3A_952, %add3A_950 : vector<16xf32>
    %exp3A_954 = math.exp %neg3A_953 : vector<16xf32>
    %mul3A_955 = arith.mulf %gather3A_940, %exp3A_954 : vector<16xf32>
    %add3A_956 = arith.addf %add3A_916, %mul3A_955 : vector<16xf32>
    %add3A_957 = arith.constant 11 : i32
    %add3A_958 = vector.broadcast %add3A_957 : i32 to vector<16xi32>
    %add3A_959 = arith.addi %select_n3A_490, %add3A_958 : vector<16xi32>
    %gather3A_960 = tpu.vector_load_idx %arg26[%add3A_959] : memref<256xf32, #tpu.memory_space<vmem>>[vector<16xi32>], vector<16xf32>,
    %add3A_961 = arith.constant 11 : i32
    %add3A_962 = vector.broadcast %add3A_961 : i32 to vector<16xi32>
    %add3A_963 = arith.addi %select_n3A_480, %add3A_962 : vector<16xi32>
    %gather3A_964 = tpu.vector_load_idx %arg26[%add3A_963] : memref<256xf32, #tpu.memory_space<vmem>>[vector<16xi32>], vector<16xf32>,
    %mul3A_965 = arith.mulf %select_n3A_456, %gather3A_964 : vector<16xf32>
    %add3A_966 = arith.constant 11 : i32
    %add3A_967 = vector.broadcast %add3A_966 : i32 to vector<16xi32>
    %add3A_968 = arith.addi %select_n3A_485, %add3A_967 : vector<16xi32>
    %gather3A_969 = tpu.vector_load_idx %arg26[%add3A_968] : memref<256xf32, #tpu.memory_space<vmem>>[vector<16xi32>], vector<16xf32>,
    %add3A_970 = arith.addf %mul3A_965, %gather3A_969 : vector<16xf32>
    %neg3A_971 = arith.constant 0.000000e+00 : f32
    %neg3A_972 = vector.broadcast %neg3A_971 : f32 to vector<16xf32>
    %neg3A_973 = arith.subf %neg3A_972, %add3A_970 : vector<16xf32>
    %exp3A_974 = math.exp %neg3A_973 : vector<16xf32>
    %mul3A_975 = arith.mulf %gather3A_960, %exp3A_974 : vector<16xf32>
    %add3A_976 = arith.addf %add3A_936, %mul3A_975 : vector<16xf32>
    %add3A_977 = arith.constant 11 : i32
    %add3A_978 = vector.broadcast %add3A_977 : i32 to vector<16xi32>
    %add3A_979 = arith.addi %select_n3A_514, %add3A_978 : vector<16xi32>
    %gather3A_980 = tpu.vector_load_idx %arg26[%add3A_979] : memref<256xf32, #tpu.memory_space<vmem>>[vector<16xi32>], vector<16xf32>,
    %add3A_981 = arith.constant 11 : i32
    %add3A_982 = vector.broadcast %add3A_981 : i32 to vector<16xi32>
    %add3A_983 = arith.addi %select_n3A_498, %add3A_982 : vector<16xi32>
    %gather3A_984 = tpu.vector_load_idx %arg26[%add3A_983] : memref<256xf32, #tpu.memory_space<vmem>>[vector<16xi32>], vector<16xf32>,
    %mul3A_985 = arith.mulf %select_n3A_475, %gather3A_984 : vector<16xf32>
    %add3A_986 = arith.constant 11 : i32
    %add3A_987 = vector.broadcast %add3A_986 : i32 to vector<16xi32>
    %add3A_988 = arith.addi %select_n3A_506, %add3A_987 : vector<16xi32>
    %gather3A_989 = tpu.vector_load_idx %arg26[%add3A_988] : memref<256xf32, #tpu.memory_space<vmem>>[vector<16xi32>], vector<16xf32>,
    %add3A_990 = arith.addf %mul3A_985, %gather3A_989 : vector<16xf32>
    %neg3A_991 = arith.constant 0.000000e+00 : f32
    %neg3A_992 = vector.broadcast %neg3A_991 : f32 to vector<16xf32>
    %neg3A_993 = arith.subf %neg3A_992, %add3A_990 : vector<16xf32>
    %exp3A_994 = math.exp %neg3A_993 : vector<16xf32>
    %mul3A_995 = arith.mulf %gather3A_980, %exp3A_994 : vector<16xf32>
    %add3A_996 = arith.addf %add3A_956, %mul3A_995 : vector<16xf32>
    %add3A_997 = arith.constant 12 : i32
    %add3A_998 = vector.broadcast %add3A_997 : i32 to vector<16xi32>
    %add3A_999 = arith.addi %select_n3A_490, %add3A_998 : vector<16xi32>
    %gather3A_1000 = tpu.vector_load_idx %arg26[%add3A_999] : memref<256xf32, #tpu.memory_space<vmem>>[vector<16xi32>], vector<16xf32>,
    %add3A_1001 = arith.constant 12 : i32
    %add3A_1002 = vector.broadcast %add3A_1001 : i32 to vector<16xi32>
    %add3A_1003 = arith.addi %select_n3A_480, %add3A_1002 : vector<16xi32>
    %gather3A_1004 = tpu.vector_load_idx %arg26[%add3A_1003] : memref<256xf32, #tpu.memory_space<vmem>>[vector<16xi32>], vector<16xf32>,
    %mul3A_1005 = arith.mulf %select_n3A_456, %gather3A_1004 : vector<16xf32>
    %add3A_1006 = arith.constant 12 : i32
    %add3A_1007 = vector.broadcast %add3A_1006 : i32 to vector<16xi32>
    %add3A_1008 = arith.addi %select_n3A_485, %add3A_1007 : vector<16xi32>
    %gather3A_1009 = tpu.vector_load_idx %arg26[%add3A_1008] : memref<256xf32, #tpu.memory_space<vmem>>[vector<16xi32>], vector<16xf32>,
    %add3A_1010 = arith.addf %mul3A_1005, %gather3A_1009 : vector<16xf32>
    %neg3A_1011 = arith.constant 0.000000e+00 : f32
    %neg3A_1012 = vector.broadcast %neg3A_1011 : f32 to vector<16xf32>
    %neg3A_1013 = arith.subf %neg3A_1012, %add3A_1010 : vector<16xf32>
    %exp3A_1014 = math.exp %neg3A_1013 : vector<16xf32>
    %mul3A_1015 = arith.mulf %gather3A_1000, %exp3A_1014 : vector<16xf32>
    %add3A_1016 = arith.addf %add3A_976, %mul3A_1015 : vector<16xf32>
    %add3A_1017 = arith.constant 12 : i32
    %add3A_1018 = vector.broadcast %add3A_1017 : i32 to vector<16xi32>
    %add3A_1019 = arith.addi %select_n3A_514, %add3A_1018 : vector<16xi32>
    %gather3A_1020 = tpu.vector_load_idx %arg26[%add3A_1019] : memref<256xf32, #tpu.memory_space<vmem>>[vector<16xi32>], vector<16xf32>,
    %add3A_1021 = arith.constant 12 : i32
    %add3A_1022 = vector.broadcast %add3A_1021 : i32 to vector<16xi32>
    %add3A_1023 = arith.addi %select_n3A_498, %add3A_1022 : vector<16xi32>
    %gather3A_1024 = tpu.vector_load_idx %arg26[%add3A_1023] : memref<256xf32, #tpu.memory_space<vmem>>[vector<16xi32>], vector<16xf32>,
    %mul3A_1025 = arith.mulf %select_n3A_475, %gather3A_1024 : vector<16xf32>
    %add3A_1026 = arith.constant 12 : i32
    %add3A_1027 = vector.broadcast %add3A_1026 : i32 to vector<16xi32>
    %add3A_1028 = arith.addi %select_n3A_506, %add3A_1027 : vector<16xi32>
    %gather3A_1029 = tpu.vector_load_idx %arg26[%add3A_1028] : memref<256xf32, #tpu.memory_space<vmem>>[vector<16xi32>], vector<16xf32>,
    %add3A_1030 = arith.addf %mul3A_1025, %gather3A_1029 : vector<16xf32>
    %neg3A_1031 = arith.constant 0.000000e+00 : f32
    %neg3A_1032 = vector.broadcast %neg3A_1031 : f32 to vector<16xf32>
    %neg3A_1033 = arith.subf %neg3A_1032, %add3A_1030 : vector<16xf32>
    %exp3A_1034 = math.exp %neg3A_1033 : vector<16xf32>
    %mul3A_1035 = arith.mulf %gather3A_1020, %exp3A_1034 : vector<16xf32>
    %add3A_1036 = arith.addf %add3A_996, %mul3A_1035 : vector<16xf32>
    %add3A_1037 = arith.constant 13 : i32
    %add3A_1038 = vector.broadcast %add3A_1037 : i32 to vector<16xi32>
    %add3A_1039 = arith.addi %select_n3A_490, %add3A_1038 : vector<16xi32>
    %gather3A_1040 = tpu.vector_load_idx %arg26[%add3A_1039] : memref<256xf32, #tpu.memory_space<vmem>>[vector<16xi32>], vector<16xf32>,
    %add3A_1041 = arith.constant 13 : i32
    %add3A_1042 = vector.broadcast %add3A_1041 : i32 to vector<16xi32>
    %add3A_1043 = arith.addi %select_n3A_480, %add3A_1042 : vector<16xi32>
    %gather3A_1044 = tpu.vector_load_idx %arg26[%add3A_1043] : memref<256xf32, #tpu.memory_space<vmem>>[vector<16xi32>], vector<16xf32>,
    %mul3A_1045 = arith.mulf %select_n3A_456, %gather3A_1044 : vector<16xf32>
    %add3A_1046 = arith.constant 13 : i32
    %add3A_1047 = vector.broadcast %add3A_1046 : i32 to vector<16xi32>
    %add3A_1048 = arith.addi %select_n3A_485, %add3A_1047 : vector<16xi32>
    %gather3A_1049 = tpu.vector_load_idx %arg26[%add3A_1048] : memref<256xf32, #tpu.memory_space<vmem>>[vector<16xi32>], vector<16xf32>,
    %add3A_1050 = arith.addf %mul3A_1045, %gather3A_1049 : vector<16xf32>
    %neg3A_1051 = arith.constant 0.000000e+00 : f32
    %neg3A_1052 = vector.broadcast %neg3A_1051 : f32 to vector<16xf32>
    %neg3A_1053 = arith.subf %neg3A_1052, %add3A_1050 : vector<16xf32>
    %exp3A_1054 = math.exp %neg3A_1053 : vector<16xf32>
    %mul3A_1055 = arith.mulf %gather3A_1040, %exp3A_1054 : vector<16xf32>
    %add3A_1056 = arith.addf %add3A_1016, %mul3A_1055 : vector<16xf32>
    %add3A_1057 = arith.constant 13 : i32
    %add3A_1058 = vector.broadcast %add3A_1057 : i32 to vector<16xi32>
    %add3A_1059 = arith.addi %select_n3A_514, %add3A_1058 : vector<16xi32>
    %gather3A_1060 = tpu.vector_load_idx %arg26[%add3A_1059] : memref<256xf32, #tpu.memory_space<vmem>>[vector<16xi32>], vector<16xf32>,
    %add3A_1061 = arith.constant 13 : i32
    %add3A_1062 = vector.broadcast %add3A_1061 : i32 to vector<16xi32>
    %add3A_1063 = arith.addi %select_n3A_498, %add3A_1062 : vector<16xi32>
    %gather3A_1064 = tpu.vector_load_idx %arg26[%add3A_1063] : memref<256xf32, #tpu.memory_space<vmem>>[vector<16xi32>], vector<16xf32>,
    %mul3A_1065 = arith.mulf %select_n3A_475, %gather3A_1064 : vector<16xf32>
    %add3A_1066 = arith.constant 13 : i32
    %add3A_1067 = vector.broadcast %add3A_1066 : i32 to vector<16xi32>
    %add3A_1068 = arith.addi %select_n3A_506, %add3A_1067 : vector<16xi32>
    %gather3A_1069 = tpu.vector_load_idx %arg26[%add3A_1068] : memref<256xf32, #tpu.memory_space<vmem>>[vector<16xi32>], vector<16xf32>,
    %add3A_1070 = arith.addf %mul3A_1065, %gather3A_1069 : vector<16xf32>
    %neg3A_1071 = arith.constant 0.000000e+00 : f32
    %neg3A_1072 = vector.broadcast %neg3A_1071 : f32 to vector<16xf32>
    %neg3A_1073 = arith.subf %neg3A_1072, %add3A_1070 : vector<16xf32>
    %exp3A_1074 = math.exp %neg3A_1073 : vector<16xf32>
    %mul3A_1075 = arith.mulf %gather3A_1060, %exp3A_1074 : vector<16xf32>
    %add3A_1076 = arith.addf %add3A_1036, %mul3A_1075 : vector<16xf32>
    %add3A_1077 = arith.constant 14 : i32
    %add3A_1078 = vector.broadcast %add3A_1077 : i32 to vector<16xi32>
    %add3A_1079 = arith.addi %select_n3A_490, %add3A_1078 : vector<16xi32>
    %gather3A_1080 = tpu.vector_load_idx %arg26[%add3A_1079] : memref<256xf32, #tpu.memory_space<vmem>>[vector<16xi32>], vector<16xf32>,
    %add3A_1081 = arith.constant 14 : i32
    %add3A_1082 = vector.broadcast %add3A_1081 : i32 to vector<16xi32>
    %add3A_1083 = arith.addi %select_n3A_480, %add3A_1082 : vector<16xi32>
    %gather3A_1084 = tpu.vector_load_idx %arg26[%add3A_1083] : memref<256xf32, #tpu.memory_space<vmem>>[vector<16xi32>], vector<16xf32>,
    %mul3A_1085 = arith.mulf %select_n3A_456, %gather3A_1084 : vector<16xf32>
    %add3A_1086 = arith.constant 14 : i32
    %add3A_1087 = vector.broadcast %add3A_1086 : i32 to vector<16xi32>
    %add3A_1088 = arith.addi %select_n3A_485, %add3A_1087 : vector<16xi32>
    %gather3A_1089 = tpu.vector_load_idx %arg26[%add3A_1088] : memref<256xf32, #tpu.memory_space<vmem>>[vector<16xi32>], vector<16xf32>,
    %add3A_1090 = arith.addf %mul3A_1085, %gather3A_1089 : vector<16xf32>
    %neg3A_1091 = arith.constant 0.000000e+00 : f32
    %neg3A_1092 = vector.broadcast %neg3A_1091 : f32 to vector<16xf32>
    %neg3A_1093 = arith.subf %neg3A_1092, %add3A_1090 : vector<16xf32>
    %exp3A_1094 = math.exp %neg3A_1093 : vector<16xf32>
    %mul3A_1095 = arith.mulf %gather3A_1080, %exp3A_1094 : vector<16xf32>
    %add3A_1096 = arith.addf %add3A_1056, %mul3A_1095 : vector<16xf32>
    %add3A_1097 = arith.constant 14 : i32
    %add3A_1098 = vector.broadcast %add3A_1097 : i32 to vector<16xi32>
    %add3A_1099 = arith.addi %select_n3A_514, %add3A_1098 : vector<16xi32>
    %gather3A_1100 = tpu.vector_load_idx %arg26[%add3A_1099] : memref<256xf32, #tpu.memory_space<vmem>>[vector<16xi32>], vector<16xf32>,
    %add3A_1101 = arith.constant 14 : i32
    %add3A_1102 = vector.broadcast %add3A_1101 : i32 to vector<16xi32>
    %add3A_1103 = arith.addi %select_n3A_498, %add3A_1102 : vector<16xi32>
    %gather3A_1104 = tpu.vector_load_idx %arg26[%add3A_1103] : memref<256xf32, #tpu.memory_space<vmem>>[vector<16xi32>], vector<16xf32>,
    %mul3A_1105 = arith.mulf %select_n3A_475, %gather3A_1104 : vector<16xf32>
    %add3A_1106 = arith.constant 14 : i32
    %add3A_1107 = vector.broadcast %add3A_1106 : i32 to vector<16xi32>
    %add3A_1108 = arith.addi %select_n3A_506, %add3A_1107 : vector<16xi32>
    %gather3A_1109 = tpu.vector_load_idx %arg26[%add3A_1108] : memref<256xf32, #tpu.memory_space<vmem>>[vector<16xi32>], vector<16xf32>,
    %add3A_1110 = arith.addf %mul3A_1105, %gather3A_1109 : vector<16xf32>
    %neg3A_1111 = arith.constant 0.000000e+00 : f32
    %neg3A_1112 = vector.broadcast %neg3A_1111 : f32 to vector<16xf32>
    %neg3A_1113 = arith.subf %neg3A_1112, %add3A_1110 : vector<16xf32>
    %exp3A_1114 = math.exp %neg3A_1113 : vector<16xf32>
    %mul3A_1115 = arith.mulf %gather3A_1100, %exp3A_1114 : vector<16xf32>
    %add3A_1116 = arith.addf %add3A_1076, %mul3A_1115 : vector<16xf32>
    %add3A_1117 = arith.constant 15 : i32
    %add3A_1118 = vector.broadcast %add3A_1117 : i32 to vector<16xi32>
    %add3A_1119 = arith.addi %select_n3A_490, %add3A_1118 : vector<16xi32>
    %gather3A_1120 = tpu.vector_load_idx %arg26[%add3A_1119] : memref<256xf32, #tpu.memory_space<vmem>>[vector<16xi32>], vector<16xf32>,
    %add3A_1121 = arith.constant 15 : i32
    %add3A_1122 = vector.broadcast %add3A_1121 : i32 to vector<16xi32>
    %add3A_1123 = arith.addi %select_n3A_480, %add3A_1122 : vector<16xi32>
    %gather3A_1124 = tpu.vector_load_idx %arg26[%add3A_1123] : memref<256xf32, #tpu.memory_space<vmem>>[vector<16xi32>], vector<16xf32>,
    %mul3A_1125 = arith.mulf %select_n3A_456, %gather3A_1124 : vector<16xf32>
    %add3A_1126 = arith.constant 15 : i32
    %add3A_1127 = vector.broadcast %add3A_1126 : i32 to vector<16xi32>
    %add3A_1128 = arith.addi %select_n3A_485, %add3A_1127 : vector<16xi32>
    %gather3A_1129 = tpu.vector_load_idx %arg26[%add3A_1128] : memref<256xf32, #tpu.memory_space<vmem>>[vector<16xi32>], vector<16xf32>,
    %add3A_1130 = arith.addf %mul3A_1125, %gather3A_1129 : vector<16xf32>
    %neg3A_1131 = arith.constant 0.000000e+00 : f32
    %neg3A_1132 = vector.broadcast %neg3A_1131 : f32 to vector<16xf32>
    %neg3A_1133 = arith.subf %neg3A_1132, %add3A_1130 : vector<16xf32>
    %exp3A_1134 = math.exp %neg3A_1133 : vector<16xf32>
    %mul3A_1135 = arith.mulf %gather3A_1120, %exp3A_1134 : vector<16xf32>
    %add3A_1136 = arith.addf %add3A_1096, %mul3A_1135 : vector<16xf32>
    %add3A_1137 = arith.constant 15 : i32
    %add3A_1138 = vector.broadcast %add3A_1137 : i32 to vector<16xi32>
    %add3A_1139 = arith.addi %select_n3A_514, %add3A_1138 : vector<16xi32>
    %gather3A_1140 = tpu.vector_load_idx %arg26[%add3A_1139] : memref<256xf32, #tpu.memory_space<vmem>>[vector<16xi32>], vector<16xf32>,
    %add3A_1141 = arith.constant 15 : i32
    %add3A_1142 = vector.broadcast %add3A_1141 : i32 to vector<16xi32>
    %add3A_1143 = arith.addi %select_n3A_498, %add3A_1142 : vector<16xi32>
    %gather3A_1144 = tpu.vector_load_idx %arg26[%add3A_1143] : memref<256xf32, #tpu.memory_space<vmem>>[vector<16xi32>], vector<16xf32>,
    %mul3A_1145 = arith.mulf %select_n3A_475, %gather3A_1144 : vector<16xf32>
    %add3A_1146 = arith.constant 15 : i32
    %add3A_1147 = vector.broadcast %add3A_1146 : i32 to vector<16xi32>
    %add3A_1148 = arith.addi %select_n3A_506, %add3A_1147 : vector<16xi32>
    %gather3A_1149 = tpu.vector_load_idx %arg26[%add3A_1148] : memref<256xf32, #tpu.memory_space<vmem>>[vector<16xi32>], vector<16xf32>,
    %add3A_1150 = arith.addf %mul3A_1145, %gather3A_1149 : vector<16xf32>
    %neg3A_1151 = arith.constant 0.000000e+00 : f32
    %neg3A_1152 = vector.broadcast %neg3A_1151 : f32 to vector<16xf32>
    %neg3A_1153 = arith.subf %neg3A_1152, %add3A_1150 : vector<16xf32>
    %exp3A_1154 = math.exp %neg3A_1153 : vector<16xf32>
    %mul3A_1155 = arith.mulf %gather3A_1140, %exp3A_1154 : vector<16xf32>
    %add3A_1156 = arith.addf %add3A_1116, %mul3A_1155 : vector<16xf32>
    %select_n3A_1157 = arith.select %lt3A_176, %gather3A_204, %gather3A_207 : vector<16xi1>, vector<16xf32>
    %add3A_1158 = arith.addf %add3A_1136, %select_n3A_1157 : vector<16xf32>
    %eq3A_1159 = arith.constant 2 : i32
    %eq3A_1160 = vector.broadcast %eq3A_1159 : i32 to vector<16xi32>
    %eq3A_1161 = arith.cmpi eq, %iota3A, %eq3A_1160 : vector<16xi32>
    %select_n3A_1162 = arith.select %eq3A_1161, %gather3A_213, %gather3A_210 : vector<16xi1>, vector<16xf32>
    %add3A_1163 = arith.addf %add3A_1156, %select_n3A_1162 : vector<16xf32>
    %swap3A_1164 = arith.constant 16 : index
    %swap3A_1165 = tpu.vector_load %arg27[%swap3A_1164] {strides = array<i32>} : memref<64xf32, #tpu.memory_space<vmem>>, vector<16xf32>,
    tpu.vector_store %arg27[%swap3A_1164], %add3A_1158 {strides = array<i32>} : memref<64xf32, #tpu.memory_space<vmem>>, vector<16xf32>,
    %or3A_1166 = arith.constant 8 : i32
    %or3A_1167 = vector.broadcast %or3A_1166 : i32 to vector<16xi32>
    %or3A_1168 = arith.ori %iota3A, %or3A_1167 : vector<16xi32>
    %add3A_1169 = arith.constant 16 : i32
    %add3A_1170 = vector.broadcast %add3A_1169 : i32 to vector<16xi32>
    %add3A_1171 = arith.addi %add3A_1170, %or3A_1168 : vector<16xi32>
    %gather3A_1172 = tpu.vector_load_idx %arg27[%add3A_1171] : memref<64xf32, #tpu.memory_space<vmem>>[vector<16xi32>], vector<16xf32>,
    %eq3A_1173 = arith.constant 0 : i32
    %eq3A_1174 = vector.broadcast %eq3A_1173 : i32 to vector<16xi32>
    %eq3A_1175 = arith.cmpi eq, %iota3A, %eq3A_1174 : vector<16xi32>
    %sign3A = tpu.bitcast %sub3A_457 : vector<16xf32> -> vector<16xi32>
    %sign3A_1176 = arith.constant -2147483648 : i32
    %sign3A_1177 = vector.broadcast %sign3A_1176 : i32 to vector<16xi32>
    %sign3A_1178 = arith.andi %sign3A, %sign3A_1177 : vector<16xi32>
    %sign3A_1179 = arith.constant 1065353216 : i32
    %sign3A_1180 = vector.broadcast %sign3A_1179 : i32 to vector<16xi32>
    %sign3A_1181 = arith.ori %sign3A_1180, %sign3A_1178 : vector<16xi32>
    %sign3A_1182 = tpu.bitcast %sign3A_1181 : vector<16xi32> -> vector<16xf32>
    %sign3A_1183 = math.absf %sub3A_457 : vector<16xf32>
    %sign3A_1184 = arith.constant 0.000000e+00 : f32
    %sign3A_1185 = vector.broadcast %sign3A_1184 : f32 to vector<16xf32>
    %sign3A_1186 = arith.cmpf ogt, %sign3A_1183, %sign3A_1185 : vector<16xf32>
    %sign3A_1187 = arith.select %sign3A_1186, %sign3A_1182, %sub3A_457 : vector<16xi1>, vector<16xf32>
    %eq3A_1188 = arith.constant 1 : i32
    %eq3A_1189 = vector.broadcast %eq3A_1188 : i32 to vector<16xi32>
    %eq3A_1190 = arith.cmpi eq, %iota3A, %eq3A_1189 : vector<16xi32>
    %sign3A_1191 = tpu.bitcast %sub3A_458 : vector<16xf32> -> vector<16xi32>
    %sign3A_1192 = arith.constant -2147483648 : i32
    %sign3A_1193 = vector.broadcast %sign3A_1192 : i32 to vector<16xi32>
    %sign3A_1194 = arith.andi %sign3A_1191, %sign3A_1193 : vector<16xi32>
    %sign3A_1195 = arith.constant 1065353216 : i32
    %sign3A_1196 = vector.broadcast %sign3A_1195 : i32 to vector<16xi32>
    %sign3A_1197 = arith.ori %sign3A_1196, %sign3A_1194 : vector<16xi32>
    %sign3A_1198 = tpu.bitcast %sign3A_1197 : vector<16xi32> -> vector<16xf32>
    %sign3A_1199 = math.absf %sub3A_458 : vector<16xf32>
    %sign3A_1200 = arith.constant 0.000000e+00 : f32
    %sign3A_1201 = vector.broadcast %sign3A_1200 : f32 to vector<16xf32>
    %sign3A_1202 = arith.cmpf ogt, %sign3A_1199, %sign3A_1201 : vector<16xf32>
    %sign3A_1203 = arith.select %sign3A_1202, %sign3A_1198, %sub3A_458 : vector<16xi1>, vector<16xf32>
    %jit3A_1204 = arith.constant 1.000000e+00 : f32
    %broadcast_in_dim3A_1205 = vector.broadcast %jit3A_1204 : f32 to vector<16xf32>
    %select_n3A_1206 = arith.select %eq3A_1190, %sign3A_1203, %broadcast_in_dim3A_1205 : vector<16xi1>, vector<16xf32>
    %select_n3A_1207 = arith.select %eq3A_1175, %sign3A_1187, %select_n3A_1206 : vector<16xi1>, vector<16xf32>
    %mul3A_1208 = arith.mulf %add3A_1163, %select_n3A_1207 : vector<16xf32>
    %swap3A_1209 = arith.constant 32 : index
    %swap3A_1210 = tpu.vector_load %arg27[%swap3A_1209] {strides = array<i32>} : memref<64xf32, #tpu.memory_space<vmem>>, vector<16xf32>,
    tpu.vector_store %arg27[%swap3A_1209], %mul3A_1208 {strides = array<i32>} : memref<64xf32, #tpu.memory_space<vmem>>, vector<16xf32>,
    %broadcast_in_dim3A_1211 = arith.constant 34 : i32
    %broadcast_in_dim3A_1212 = vector.broadcast %broadcast_in_dim3A_1211 : i32 to vector<16xi32>
    %gather3A_1213 = tpu.vector_load_idx %arg27[%broadcast_in_dim3A_1212] : memref<64xf32, #tpu.memory_space<vmem>>[vector<16xi32>], vector<16xf32>,
    %broadcast_in_dim3A_1214 = arith.constant 32 : i32
    %broadcast_in_dim3A_1215 = vector.broadcast %broadcast_in_dim3A_1214 : i32 to vector<16xi32>
    %gather3A_1216 = tpu.vector_load_idx %arg27[%broadcast_in_dim3A_1215] : memref<64xf32, #tpu.memory_space<vmem>>[vector<16xi32>], vector<16xf32>,
    %broadcast_in_dim3A_1217 = arith.constant 33 : i32
    %broadcast_in_dim3A_1218 = vector.broadcast %broadcast_in_dim3A_1217 : i32 to vector<16xi32>
    %gather3A_1219 = tpu.vector_load_idx %arg27[%broadcast_in_dim3A_1218] : memref<64xf32, #tpu.memory_space<vmem>>[vector<16xi32>], vector<16xf32>,
    %mul3A_1220 = arith.mulf %gather3A_1213, %add3A_1158 : vector<16xf32>
    %mul3A_1221 = arith.mulf %mul3A_1220, %mul3A_340 : vector<16xf32>
    %mul3A_1222 = arith.mulf %gather3A_1213, %add3A_1158 : vector<16xf32>
    %mul3A_1223 = arith.mulf %mul3A_1222, %mul3A_341 : vector<16xf32>
    %mul3A_1224 = arith.mulf %gather3A_1172, %mul3A_340 : vector<16xf32>
    %mul3A_1225 = arith.mulf %gather3A_1172, %mul3A_341 : vector<16xf32>
    %mul3A_1226 = arith.mulf %gather3A_195, %gather3A_195 : vector<16xf32>
    %mul3A_1227 = arith.mulf %mul3A_1226, %max3A_386 : vector<16xf32>
    %mul3A_1228 = arith.mulf %gather3A_183, %mul3A_1221 : vector<16xf32>
    %mul3A_1229 = arith.mulf %gather3A_186, %mul3A_1223 : vector<16xf32>
    %add3A_1230 = arith.addf %mul3A_1228, %mul3A_1229 : vector<16xf32>
    %mul3A_1231 = arith.mulf %mul3A_1221, %mul3A_1221 : vector<16xf32>
    %mul3A_1232 = arith.mulf %mul3A_1223, %mul3A_1223 : vector<16xf32>
    %add3A_1233 = arith.addf %mul3A_1231, %mul3A_1232 : vector<16xf32>
    %max3A_1234 = arith.constant 1.000000e-16 : f32
    %max3A_1235 = vector.broadcast %max3A_1234 : f32 to vector<16xf32>
    %max3A_1236 = arith.maximumf %add3A_1233, %max3A_1235 : vector<16xf32>
    %mul3A_1237 = arith.mulf %add3A_1230, %add3A_1230 : vector<16xf32>
    %mul3A_1238 = arith.mulf %mul3A_1227, %max3A_1236 : vector<16xf32>
    %gt3A = arith.cmpf ogt, %mul3A_1237, %mul3A_1238 : vector<16xf32>
    %mul3A_1239 = arith.mulf %gather3A_183, %mul3A_1224 : vector<16xf32>
    %mul3A_1240 = arith.mulf %gather3A_186, %mul3A_1225 : vector<16xf32>
    %add3A_1241 = arith.addf %mul3A_1239, %mul3A_1240 : vector<16xf32>
    %mul3A_1242 = arith.mulf %mul3A_1224, %mul3A_1224 : vector<16xf32>
    %mul3A_1243 = arith.mulf %mul3A_1225, %mul3A_1225 : vector<16xf32>
    %add3A_1244 = arith.addf %mul3A_1242, %mul3A_1243 : vector<16xf32>
    %max3A_1245 = arith.constant 1.000000e-16 : f32
    %max3A_1246 = vector.broadcast %max3A_1245 : f32 to vector<16xf32>
    %max3A_1247 = arith.maximumf %add3A_1244, %max3A_1246 : vector<16xf32>
    %mul3A_1248 = arith.mulf %add3A_1241, %add3A_1241 : vector<16xf32>
    %mul3A_1249 = arith.mulf %mul3A_1227, %max3A_1247 : vector<16xf32>
    %gt3A_1250 = arith.cmpf ogt, %mul3A_1248, %mul3A_1249 : vector<16xf32>
    %jit3A_1251 = arith.constant 0.000000e+00 : f32
    %broadcast_in_dim3A_1252 = vector.broadcast %jit3A_1251 : f32 to vector<16xf32>
    %select_n3A_1253 = arith.select %gt3A, %mul3A_1221, %broadcast_in_dim3A_1252 : vector<16xi1>, vector<16xf32>
    %jit3A_1254 = arith.constant 0.000000e+00 : f32
    %broadcast_in_dim3A_1255 = vector.broadcast %jit3A_1254 : f32 to vector<16xf32>
    %select_n3A_1256 = arith.select %gt3A_1250, %mul3A_1224, %broadcast_in_dim3A_1255 : vector<16xi1>, vector<16xf32>
    %add3A_1257 = arith.addf %select_n3A_1253, %select_n3A_1256 : vector<16xf32>
    %reduce_sum3A = arith.constant true
    %reduce_sum3A_1258 = vector.broadcast %reduce_sum3A : i1 to vector<16xi1>
    %reduce_sum3A_1259 = tpu.scan <sum>, %add3A_1257 masked %reduce_sum3A_1258 : vector<16xf32>, vector<16xi1> -> vector<16xf32>
    %reduce_sum3A_1260 = vector.extract %reduce_sum3A_1259[15] : f32 from vector<16xf32>
    %jit3A_1261 = arith.constant 0.000000e+00 : f32
    %broadcast_in_dim3A_1262 = vector.broadcast %jit3A_1261 : f32 to vector<16xf32>
    %select_n3A_1263 = arith.select %gt3A, %mul3A_1223, %broadcast_in_dim3A_1262 : vector<16xi1>, vector<16xf32>
    %jit3A_1264 = arith.constant 0.000000e+00 : f32
    %broadcast_in_dim3A_1265 = vector.broadcast %jit3A_1264 : f32 to vector<16xf32>
    %select_n3A_1266 = arith.select %gt3A_1250, %mul3A_1225, %broadcast_in_dim3A_1265 : vector<16xi1>, vector<16xf32>
    %add3A_1267 = arith.addf %select_n3A_1263, %select_n3A_1266 : vector<16xf32>
    %reduce_sum3A_1268 = arith.constant true
    %reduce_sum3A_1269 = vector.broadcast %reduce_sum3A_1268 : i1 to vector<16xi1>
    %reduce_sum3A_1270 = tpu.scan <sum>, %add3A_1267 masked %reduce_sum3A_1269 : vector<16xf32>, vector<16xi1> -> vector<16xf32>
    %reduce_sum3A_1271 = vector.extract %reduce_sum3A_1270[15] : f32 from vector<16xf32>
    %mul3A_1272 = arith.mulf %gather3A_192, %mul3A_383 : vector<16xf32>
    %sub3A_1273 = arith.subf %mul3A_1272, %gather3A_183 : vector<16xf32>
    %div3A = arith.divf %sub3A_1273, %gather3A_189 : vector<16xf32>
    %sub3A_1274 = arith.constant 0.000000e+00 : f32
    %sub3A_1275 = vector.broadcast %sub3A_1274 : f32 to vector<16xf32>
    %sub3A_1276 = arith.subf %sub3A_1275, %gather3A_186 : vector<16xf32>
    %div3A_1277 = arith.divf %sub3A_1276, %gather3A_189 : vector<16xf32>
    %eq3A_1278 = arith.constant 0 : i32
    %eq3A_1279 = vector.broadcast %eq3A_1278 : i32 to vector<16xi32>
    %eq3A_1280 = arith.cmpi eq, %iota3A, %eq3A_1279 : vector<16xi32>
    %jit3A_1281 = arith.constant 0.000000e+00 : f32
    %broadcast_in_dim3A_1282 = vector.broadcast %jit3A_1281 : f32 to vector<16xf32>
    %select_n3A_1283 = arith.select %eq3A_1280, %div3A, %broadcast_in_dim3A_1282 : vector<16xi1>, vector<16xf32>
    %eq3A_1284 = arith.constant 0 : i32
    %eq3A_1285 = vector.broadcast %eq3A_1284 : i32 to vector<16xi32>
    %eq3A_1286 = arith.cmpi eq, %iota3A, %eq3A_1285 : vector<16xi32>
    %eq3A_1287 = arith.constant 1 : i32
    %eq3A_1288 = vector.broadcast %eq3A_1287 : i32 to vector<16xi32>
    %eq3A_1289 = arith.cmpi eq, %iota3A, %eq3A_1288 : vector<16xi32>
    %eq3A_1290 = arith.constant 2 : i32
    %eq3A_1291 = vector.broadcast %eq3A_1290 : i32 to vector<16xi32>
    %eq3A_1292 = arith.cmpi eq, %iota3A, %eq3A_1291 : vector<16xi32>
    %jit3A_1293 = arith.constant 0.000000e+00 : f32
    %broadcast_in_dim3A_1294 = vector.broadcast %jit3A_1293 : f32 to vector<16xf32>
    %select_n3A_1295 = arith.select %eq3A_1292, %gather3A_1219, %broadcast_in_dim3A_1294 : vector<16xi1>, vector<16xf32>
    %select_n3A_1296 = arith.select %eq3A_1289, %gather3A_1216, %select_n3A_1295 : vector<16xi1>, vector<16xf32>
    %select_n3A_1297 = arith.select %eq3A_1286, %div3A_1277, %select_n3A_1296 : vector<16xi1>, vector<16xf32>
    %mul3A_1298 = arith.mulf %gather3A_183, %select_n3A_1283 : vector<16xf32>
    %mul3A_1299 = arith.mulf %gather3A_186, %select_n3A_1297 : vector<16xf32>
    %add3A_1300 = arith.addf %mul3A_1298, %mul3A_1299 : vector<16xf32>
    %mul3A_1301 = arith.mulf %select_n3A_1283, %select_n3A_1283 : vector<16xf32>
    %mul3A_1302 = arith.mulf %select_n3A_1297, %select_n3A_1297 : vector<16xf32>
    %add3A_1303 = arith.addf %mul3A_1301, %mul3A_1302 : vector<16xf32>
    %max3A_1304 = arith.constant 1.000000e-16 : f32
    %max3A_1305 = vector.broadcast %max3A_1304 : f32 to vector<16xf32>
    %max3A_1306 = arith.maximumf %add3A_1303, %max3A_1305 : vector<16xf32>
    %mul3A_1307 = arith.mulf %add3A_1300, %add3A_1300 : vector<16xf32>
    %mul3A_1308 = arith.mulf %mul3A_1227, %max3A_1306 : vector<16xf32>
    %gt3A_1309 = arith.cmpf ogt, %mul3A_1307, %mul3A_1308 : vector<16xf32>
    %lt3A_1310 = arith.constant 3 : i32
    %lt3A_1311 = vector.broadcast %lt3A_1310 : i32 to vector<16xi32>
    %lt3A_1312 = arith.cmpi slt, %iota3A, %lt3A_1311 : vector<16xi32>
    %and3A_1313 = arith.andi %gt3A_1309, %lt3A_1312 : vector<16xi1>
    %eq3A_1314 = arith.constant 0 : i32
    %eq3A_1315 = vector.broadcast %eq3A_1314 : i32 to vector<16xi32>
    %eq3A_1316 = arith.cmpi eq, %iota3A, %eq3A_1315 : vector<16xi32>
    %and3A_1317 = arith.andi %and3A_1313, %eq3A_1316 : vector<16xi1>
    %jit3A_1318 = arith.constant 0.000000e+00 : f32
    %broadcast_in_dim3A_1319 = vector.broadcast %jit3A_1318 : f32 to vector<16xf32>
    %select_n3A_1320 = arith.select %and3A_1317, %select_n3A_1283, %broadcast_in_dim3A_1319 : vector<16xi1>, vector<16xf32>
    %reduce_sum3A_1321 = arith.constant true
    %reduce_sum3A_1322 = vector.broadcast %reduce_sum3A_1321 : i1 to vector<16xi1>
    %reduce_sum3A_1323 = tpu.scan <sum>, %select_n3A_1320 masked %reduce_sum3A_1322 : vector<16xf32>, vector<16xi1> -> vector<16xf32>
    %reduce_sum3A_1324 = vector.extract %reduce_sum3A_1323[15] : f32 from vector<16xf32>
    %jit3A_1325 = arith.constant 0.000000e+00 : f32
    %broadcast_in_dim3A_1326 = vector.broadcast %jit3A_1325 : f32 to vector<16xf32>
    %select_n3A_1327 = arith.select %and3A_1317, %select_n3A_1297, %broadcast_in_dim3A_1326 : vector<16xi1>, vector<16xf32>
    %reduce_sum3A_1328 = arith.constant true
    %reduce_sum3A_1329 = vector.broadcast %reduce_sum3A_1328 : i1 to vector<16xi1>
    %reduce_sum3A_1330 = tpu.scan <sum>, %select_n3A_1327 masked %reduce_sum3A_1329 : vector<16xf32>, vector<16xi1> -> vector<16xf32>
    %reduce_sum3A_1331 = vector.extract %reduce_sum3A_1330[15] : f32 from vector<16xf32>
    %ge3A = arith.constant 1 : i32
    %ge3A_1332 = vector.broadcast %ge3A : i32 to vector<16xi32>
    %ge3A_1333 = arith.cmpi sge, %iota3A, %ge3A_1332 : vector<16xi32>
    %and3A_1334 = arith.andi %and3A_1313, %ge3A_1333 : vector<16xi1>
    %jit3A_1335 = arith.constant 0.000000e+00 : f32
    %broadcast_in_dim3A_1336 = vector.broadcast %jit3A_1335 : f32 to vector<16xf32>
    %select_n3A_1337 = arith.select %and3A_1334, %select_n3A_1297, %broadcast_in_dim3A_1336 : vector<16xi1>, vector<16xf32>
    %reduce_sum3A_1338 = arith.constant true
    %reduce_sum3A_1339 = vector.broadcast %reduce_sum3A_1338 : i1 to vector<16xi1>
    %reduce_sum3A_1340 = tpu.scan <sum>, %select_n3A_1337 masked %reduce_sum3A_1339 : vector<16xf32>, vector<16xi1> -> vector<16xf32>
    %reduce_sum3A_1341 = vector.extract %reduce_sum3A_1340[15] : f32 from vector<16xf32>
    %eq3A_1342 = arith.constant 0 : i32
    %eq3A_1343 = vector.broadcast %eq3A_1342 : i32 to vector<16xi32>
    %eq3A_1344 = arith.cmpi eq, %iota3A, %eq3A_1343 : vector<16xi32>
    %eq3A_1345 = arith.constant 1 : i32
    %eq3A_1346 = vector.broadcast %eq3A_1345 : i32 to vector<16xi32>
    %eq3A_1347 = arith.cmpi eq, %iota3A, %eq3A_1346 : vector<16xi32>
    %eq3A_1348 = arith.constant 2 : i32
    %eq3A_1349 = vector.broadcast %eq3A_1348 : i32 to vector<16xi32>
    %eq3A_1350 = arith.cmpi eq, %iota3A, %eq3A_1349 : vector<16xi32>
    %eq3A_1351 = arith.constant 3 : i32
    %eq3A_1352 = vector.broadcast %eq3A_1351 : i32 to vector<16xi32>
    %eq3A_1353 = arith.cmpi eq, %iota3A, %eq3A_1352 : vector<16xi32>
    %eq3A_1354 = arith.constant 5 : i32
    %eq3A_1355 = vector.broadcast %eq3A_1354 : i32 to vector<16xi32>
    %eq3A_1356 = arith.cmpi eq, %iota3A, %eq3A_1355 : vector<16xi32>
    %jit3A_1357 = arith.constant 0.000000e+00 : f32
    %broadcast_in_dim3A_1358 = vector.broadcast %reduce_sum3A_1341 : f32 to vector<16xf32>
    %broadcast_in_dim3A_1359 = vector.broadcast %jit3A_1357 : f32 to vector<16xf32>
    %select_n3A_1360 = arith.select %eq3A_1356, %broadcast_in_dim3A_1358, %broadcast_in_dim3A_1359 : vector<16xi1>, vector<16xf32>
    %broadcast_in_dim3A_1361 = vector.broadcast %reduce_sum3A_1271 : f32 to vector<16xf32>
    %select_n3A_1362 = arith.select %eq3A_1353, %broadcast_in_dim3A_1361, %select_n3A_1360 : vector<16xi1>, vector<16xf32>
    %broadcast_in_dim3A_1363 = vector.broadcast %reduce_sum3A_1260 : f32 to vector<16xf32>
    %select_n3A_1364 = arith.select %eq3A_1350, %broadcast_in_dim3A_1363, %select_n3A_1362 : vector<16xi1>, vector<16xf32>
    %broadcast_in_dim3A_1365 = vector.broadcast %reduce_sum3A_1331 : f32 to vector<16xf32>
    %select_n3A_1366 = arith.select %eq3A_1347, %broadcast_in_dim3A_1365, %select_n3A_1364 : vector<16xi1>, vector<16xf32>
    %broadcast_in_dim3A_1367 = vector.broadcast %reduce_sum3A_1324 : f32 to vector<16xf32>
    %select_n3A_1368 = arith.select %eq3A_1344, %broadcast_in_dim3A_1367, %select_n3A_1366 : vector<16xi1>, vector<16xf32>
    %swap3A_1369 = arith.constant 0 : index
    %swap3A_1370 = tpu.vector_load %arg28[%swap3A_1369] {strides = array<i32>} : memref<16xf32, #tpu.memory_space<vmem>>, vector<16xf32>,
    tpu.vector_store %arg28[%swap3A_1369], %select_n3A_1368 {strides = array<i32>} : memref<16xf32, #tpu.memory_space<vmem>>, vector<16xf32>,
    "tpu.region"() ({
      %run_scoped3A = tpu.sem_alloc : memref<!tpu.dma_semaphore, #tpu.memory_space<semaphore_mem>>
      %dma_start3A_1371 = arith.constant 0 : i32
      %dma_start3A_1372 = tpu.memref_slice %arg23[%add3A, %dma_start3A_1371] : memref<32x16xf32, #tpu.memory_space<hbm>> -> memref<1x16xf32, #tpu.memory_space<hbm>>
      %dma_start3A_1373 = tpu.memref_squeeze %dma_start3A_1372 : memref<1x16xf32, #tpu.memory_space<hbm>> -> memref<16xf32, #tpu.memory_space<hbm>>
      %dma_start3A_1374 = arith.constant 0 : i32
      %dma_start3A_1375 = tpu.memref_slice %arg23[%add3A, %dma_start3A_1374] : memref<32x16xf32, #tpu.memory_space<hbm>> -> memref<1x16xf32, #tpu.memory_space<hbm>>
      %dma_start3A_1376 = tpu.memref_squeeze %dma_start3A_1375 : memref<1x16xf32, #tpu.memory_space<hbm>> -> memref<16xf32, #tpu.memory_space<hbm>>
      tpu.enqueue_dma source(%arg28 : memref<16xf32, #tpu.memory_space<vmem>>) target(%dma_start3A_1376 : memref<16xf32, #tpu.memory_space<hbm>>) target_semaphore(%run_scoped3A : memref<!tpu.dma_semaphore, #tpu.memory_space<semaphore_mem>>)
      %dma_wait3A_1377 = arith.constant 0 : i32
      %dma_wait3A_1378 = tpu.memref_slice %arg23[%add3A, %dma_wait3A_1377] : memref<32x16xf32, #tpu.memory_space<hbm>> -> memref<1x16xf32, #tpu.memory_space<hbm>>
      %dma_wait3A_1379 = tpu.memref_squeeze %dma_wait3A_1378 : memref<1x16xf32, #tpu.memory_space<hbm>> -> memref<16xf32, #tpu.memory_space<hbm>>
      %dma_wait3A_1380 = arith.constant 0 : i32
      %dma_wait3A_1381 = tpu.memref_slice %arg23[%add3A, %dma_wait3A_1380] : memref<32x16xf32, #tpu.memory_space<hbm>> -> memref<1x16xf32, #tpu.memory_space<hbm>>
      %dma_wait3A_1382 = tpu.memref_squeeze %dma_wait3A_1381 : memref<1x16xf32, #tpu.memory_space<hbm>> -> memref<16xf32, #tpu.memory_space<hbm>>
      tpu.wait_dma2 semaphore(%run_scoped3A : memref<!tpu.dma_semaphore, #tpu.memory_space<semaphore_mem>>) src(%arg28 : memref<16xf32, #tpu.memory_space<vmem>>) dst(%dma_wait3A_1382 : memref<16xf32, #tpu.memory_space<hbm>>)
      tpu.yield
    }) : () -> ()
    return
  }
}

</mosaic_0001>

<sc_bundles>
// kernel: _sfm_sc.3.cloned.1.call-start
scs
__scs_entry_jumppad:
0x0: {  	(pc) =	sbr.rel $0x88, $3  }
0x1: {  	(tag) =	ssettag $0x0;
	lr =	simm.s32 $0x1  }
0x2: {  	[smem:$0x3F8C] =	sst lr;
	_ =	strace $0xD0000000  }
0x3: {  	_ = 	snop  }
0x4: {  	_ = 	snop  }
0x5: {  	_ = 	snop  }
0x6: {  	_ = 	snop  }
0x7: {  	_ = 	snop  }
__scs_overlays_trampoline_lowered:
0x8: {  	[smem:$0x3F9B] =	sst s0  }
0x9: {  	[smem:$0x3F9C] =	sst s1  }
0xa: {  	[smem:$0x3F9D] =	sst s2  }
0xb: {  	[smem:$0x3F9E] =	sst s3  }
0xc: {  	[smem:$0x3F9F] =	sst s4  }
0xd: {  	[smem:$0x3FA0] =	sst s5  }
0xe: {  	[smem:$0x3FA1] =	sst s6  }
0xf: {  	[smem:$0x3FA2] =	sst s7  }
0x10: {  	[smem:$0x3FA3] =	sst s8  }
0x11: {  	[smem:$0x3FA4] =	sst s9;
	s0 =	simm.s32 @!p0 $0x0  }
0x12: {  	s1 =	sld [smem:$0x3F8A];
	s0 =	simm.s32 @p0 $0x1  }
0x13: {  	[smem:$0x3FA5] =	sst s0;
	s0 =	simm.s32 @!p1 $0x0  }
0x14: {  	s2 =	sld [smem:$0x3F89];
	s0 =	simm.s32 @p1 $0x1  }
0x15: {  	[smem:$0x3FA6] =	sst s0;
	s0 =	simm.s32 @!p2 $0x0  }
0x16: {  	s3 =	sld [smem:$0x3FDB];
	s0 =	simm.s32 @p2 $0x1  }
0x17: {  	s4 =	simm.s32 $0x1BF5;
	[smem:$0x3FA8] =	sst s0  }
0x18: {  	s0 =	sld [smem:$0x3F8B];
	_ =	swait.ge [sflag:s4], $0x0  }
0x19: {  	s7 =	sld [smem:$0x3F8C]  }
0x1a: {  	s8 =	sadd.s32 $0xFFFFE003, lr  }
0x1b: {  	s9 =	sadd.s32 $0xFFFFFEF7, lr;
	s5 =	simm.s32 $0xFFFFFFFF;
	p2 =	slt.u32 s8, $0xFFFFF086  }
0x1c: {  	p1 =	slt.u32 s9, $0xF7A;
	s5 =	simm.s32 @!p2 $0x0  }
0x1d: {  	s5 =	simm.s32 @p1 $0x1;
	p0 =	seq.s32 s7, s2  }
0x1e: {  	s7 =	smul.u32 @!p0 $0xF7A, s2;
	p2 =	seq.s32 @!p0 s5, $0x0  }
0x1f: {  	s9 =	smul.u32 $0xF7A, s1;
	s8 =	simm.s32 @!p0 $0x1BF5;
	p2 =	por !p2, p0  }
0x20: {  	[sflag:s8] =	ssyncset.s32 @!p0 $0xFFFFF086;
	s6 =	sadd.s32 @!p0 s3, s7;
	s7 =	simm.s32 @!p0 $0x108  }
0x21: {  	s3 =	sadd.s32 s3, s9;
	s6 =	sadd.s32 @!p0 $0x88, s6;
	s7 =	simm.s32 @p2 $0x1082  }
0x22: {  	[simem:s7], [sflag:s8] =	dma.local @!p0 [hbm:s6], $0xF7A  }
0x23: {  	s9 =	sor.u32 $0xD0000000, s2;
	s6 =	simm.s32 $0x108;
	_ =	swait.ge @!p0 [sflag:s8], $0x0  }
0x24: {  	s3 =	sadd.s32 $0x88, s3;
	s6 =	simm.s32 @!p1 $0x1082;
	[sflag:s4] =	ssyncset.s32 $0xFFFFF086  }
0x25: {  	[simem:s6], [sflag:s4] =	dma.local [hbm:s3], $0xF7A  }
0x26: {  	[smem:$0x3F8C] =	sst s1;
	(tag) =	ssettag s2;
	_ =	strace s9  }
0x27: {  	s1 =	sld [smem:$0x3F9C]  }
0x28: {  	s2 =	sld [smem:$0x3F9D]  }
0x29: {  	s4 =	sld [smem:$0x3F9F]  }
0x2a: {  	p0 =	seq.s32 s5, $0x0;
	s5 =	sld [smem:$0x3FA0]  }
0x2b: {  	s6 =	sld [smem:$0x3FA1]  }
0x2c: {  	s7 =	sld [smem:$0x3FA2]  }
0x2d: {  	s3 =	simm.s32 $0x108;
	s8 =	sld [smem:$0x3FA3]  }
0x2e: {  	s3 =	simm.s32 @!p0 $0x1082;
	s9 =	sld [smem:$0x3FA4]  }
0x2f: {  	lr =	sadd.s32 s0, s3;
	s0 =	sld [smem:$0x3F9B]  }
0x30: {  	s3 =	sld [smem:$0x3F9E]  }
0x31: {  	[smem:$0x3FA7] =	sst s10  }
0x32: {  	s10 =	sld [smem:$0x3FA5];
	_ =	sdelay $0x3  }
0x33: {  	p0 =	seq.s32 s10, $0x1;
	s10 =	sld [smem:$0x3FA7];
	_ =	sdelay $0x3  }
0x34: {  	[smem:$0x3FA7] =	sst s10  }
0x35: {  	s10 =	sld [smem:$0x3FA6];
	_ =	sdelay $0x3  }
0x36: {  	p1 =	seq.s32 s10, $0x1;
	s10 =	sld [smem:$0x3FA7];
	_ =	sdelay $0x3  }
0x37: {  	[smem:$0x3FA7] =	sst s10  }
0x38: {  	s10 =	sld [smem:$0x3FA8]  }
0x39: {  	_ = 	snop;
	(pc) =	sbr.ind lr, $3  }
0x3a: {  	_ = 	snop  }
0x3b: {  	_ = 	snop  }
0x3c: {  	p2 =	seq.s32 s10, $0x1;
	s10 =	sld [smem:$0x3FA7]  }
0x3d: {  	_ =	shalt  }
0x3e: {  	_ =	shalt  }
0x3f: {  	_ =	shalt  }
0x40: {  	_ =	shalt  }
0x41: {  	_ =	shalt  }
0x42: {  	_ =	shalt  }
0x43: {  	_ =	shalt  }
0x44: {  	_ =	shalt  }
0x45: {  	_ =	shalt  }
0x46: {  	_ =	shalt  }
0x47: {  	_ =	shalt  }
0x48: {  	_ =	shalt  }
0x49: {  	_ =	shalt  }
0x4a: {  	_ =	shalt  }
0x4b: {  	_ =	shalt  }
0x4c: {  	_ =	shalt  }
0x4d: {  	_ =	shalt  }
0x4e: {  	_ =	shalt  }
0x4f: {  	_ =	shalt  }
0x50: {  	_ =	shalt  }
0x51: {  	_ =	shalt  }
0x52: {  	_ =	shalt  }
0x53: {  	_ =	shalt  }
0x54: {  	_ =	shalt  }
0x55: {  	_ =	shalt  }
0x56: {  	_ =	shalt  }
0x57: {  	_ =	shalt  }
0x58: {  	_ =	shalt  }
0x59: {  	_ =	shalt  }
0x5a: {  	_ =	shalt  }
0x5b: {  	_ =	shalt  }
0x5c: {  	_ =	shalt  }
0x5d: {  	_ =	shalt  }
0x5e: {  	_ =	shalt  }
0x5f: {  	_ =	shalt  }
0x60: {  	_ =	shalt  }
0x61: {  	_ =	shalt  }
0x62: {  	_ =	shalt  }
0x63: {  	_ =	shalt  }
0x64: {  	_ =	shalt  }
0x65: {  	_ =	shalt  }
0x66: {  	_ =	shalt  }
0x67: {  	_ =	shalt  }
0x68: {  	_ =	shalt  }
0x69: {  	_ =	shalt  }
0x6a: {  	_ =	shalt  }
0x6b: {  	_ =	shalt  }
0x6c: {  	_ =	shalt  }
0x6d: {  	_ =	shalt  }
0x6e: {  	_ =	shalt  }
0x6f: {  	_ =	shalt  }
0x70: {  	_ =	shalt  }
0x71: {  	_ =	shalt  }
0x72: {  	_ =	shalt  }
0x73: {  	_ =	shalt  }
0x74: {  	_ =	shalt  }
0x75: {  	_ =	shalt  }
0x76: {  	_ =	shalt  }
0x77: {  	_ =	shalt  }
0x78: {  	_ =	shalt  }
0x79: {  	_ =	shalt  }
0x7a: {  	_ =	shalt  }
0x7b: {  	_ =	shalt  }
0x7c: {  	_ =	shalt  }
0x7d: {  	_ =	shalt  }
0x7e: {  	_ =	shalt  }
0x7f: {  	_ =	shalt  }
0x80: {  	_ =	shalt  }
0x81: {  	_ =	shalt  }
0x82: {  	_ =	shalt  }
0x83: {  	_ =	shalt  }
0x84: {  	_ =	shalt  }
0x85: {  	_ =	shalt  }
0x86: {  	_ =	shalt  }
0x87: {  	_ =	shalt  }
.Lfunc_end0:
.L_simem_size_0:
called_computation_lowered:
.L_overlay_start_0:
0x88: {  	s2 =	sld [smem:$0x3FD9]  }
0x89: {  	s3 =	sld [smem:$0x3FFE];
	_ =	sdelay $0x1  }
0x8a: {  	s1 =	srdreg.scid  }
0x8b: {  	s0 =	sand.u32 $0x1, s1  }
0x8c: {  	s29 =	sshll.u32 s0, $0xA;
	s2 =	sadd.s32 s3, s2  }
0x8d: {  	s2 =	sadd.s32 s2, s29  }
0x8e: {  	[smem:$0x3FB3] =	sst s2  }
0x8f: {  	_ = 	snop  }
0x90: {  	s2 =	sld [smem:$0x3FC8]  }
0x91: {  	s3 =	sld [smem:$0x3FC7]  }
0x92: {  	s4 =	sld [smem:$0x3FC6]  }
0x93: {  	s5 =	sld [smem:$0x3FC5]  }
0x94: {  	s6 =	sld [smem:$0x3FC4]  }
0x95: {  	s7 =	sld [smem:$0x3FC3]  }
0x96: {  	s8 =	sld [smem:$0x3FC2]  }
0x97: {  	s9 =	sld [smem:$0x3FC1]  }
0x98: {  	s10 =	sld [smem:$0x3FC0]  }
0x99: {  	s11 =	sld [smem:$0x3FBF]  }
0x9a: {  	s12 =	sld [smem:$0x3FBE]  }
0x9b: {  	s13 =	sld [smem:$0x3FBD]  }
0x9c: {  	s14 =	sld [smem:$0x3FBC]  }
0x9d: {  	s16 =	sld [smem:$0x3FBB]  }
0x9e: {  	s17 =	sld [smem:$0x3FBA]  }
0x9f: {  	s18 =	sld [smem:$0x3FB9]  }
0xa0: {  	s19 =	sld [smem:$0x3FB8]  }
0xa1: {  	s20 =	sld [smem:$0x3FB7]  }
0xa2: {  	s21 =	sld [smem:$0x3FB6]  }
0xa3: {  	s22 =	sld [smem:$0x3FB5];
	(tm) =	ssettm $0x1  }
0xa4: {  	s15 =	sld [smem:$0x3FFB];
	_ =	sdelay $0x3  }
0xa5: {  	_ =	strace s15  }
0xa6: {  	s15 =	sld [smem:$0x3FFC];
	_ =	sdelay $0x3  }
0xa7: {  	_ =	strace s15  }
0xa8: {  	s15 =	sld [smem:$0x3FFD];
	_ =	sdelay $0x3  }
0xa9: {  	_ =	strace s15  }
0xaa: {  	_ =	strace $0x8FFFFFFF  }
0xab: {  	s30 =	sld [smem:$0x3FDB];
	_ =	sdelay $0x1  }
0xac: {  	s23 =	simm.s32 $_scs_section_size  }
0xad: {  	s24 =	simm.s32 $_size__tile_task_arg_handler_lowered;
	s25 =	simm.s32 $_tile_task_arg_handler_lowered  }
0xae: {  	s31 =	sshll.u32 s24, $0x1;
	s26 =	sshll.u32 s25, $0x1;
	s23 =	sadd.s32 s23, s30  }
0xaf: {  	s25 =	simm.s32 $0x1BFF;
	s24 =	sadd.s32 s26, s23;
	s26 =	simm.s32 $0x60  }
0xb0: {  	[timem:s26], [sflag:s25] =	dma.local [hbm:s24], s31  }
0xb1: {  	_ =	swait.ge [sflag:s25], s31  }
0xb2: {  	s28 =	simm.s32 $_tile_overlayer_lowered;
	s15 =	ssub.s32 $0x0, s31;
	[sflag:s25] =	ssyncset.done $0x0  }
0xb3: {  	s29 =	simm.s32 $_size__tile_overlayer_lowered;
	s24 =	sshll.u32 s28, $0x1;
	[sflag:s25] =	ssyncadd.s32 s15  }
0xb4: {  	s30 =	sshll.u32 s29, $0x1;
	s24 =	sadd.s32 s24, s23;
	s15 =	simm.s32 $0x0  }
0xb5: {  	[timem:s15], [sflag:s25] =	dma.local [hbm:s24], s30  }
0xb6: {  	_ =	swait.ge [sflag:s25], s30  }
0xb7: {  	s31 =	ssub.s32 $0x0, s30;
	[sflag:s25] =	ssyncset.done $0x0  }
0xb8: {  	[sflag:s25] =	ssyncadd.s32 s31;
	_ =	sdelay $0x1  }
0xb9: {  	s26 =	simm.s32 $0x1B8B  }
0xba: {  	_ =	swait.ge [sflag:s26], $0x1  }
0xbb: {  	[sflag:s26] =	ssyncset.done $0x0  }
0xbc: {  	s29 =	simm.s32 $0x1B8E;
	s28 =	sld [smem:$0x3FFE];
	[sflag:s26] =	ssyncadd.s32 $0xFFFFFFFF  }
0xbd: {  	s30 =	simm.s32 $execute0_lowered;
	[smem:$0x3FD2] =	sst s29  }
0xbe: {  	s25 =	sshll.u32 s30, $0x1;
	_ =	strace $0x80000046;
	[dreg:$0x1] =	wrdreg $0xFFFFFFFF  }
0xbf: {  	s31 =	simm.s32 $_size_execute0_lowered;
	s23 =	sadd.s32 s23, s25;
	[dreg:$0x0] =	wrdreg $0x0  }
0xc0: {  	s26 =	sshll.u32 s31, $0x1;
	[dreg:$0x2] =	wrdreg s23  }
0xc1: {  	[dreg:$0x3] =	wrdreg s26  }
0xc2: {  	[dreg:$0x4] =	wrdreg $0xC0  }
0xc3: {  	_ =	task [dreg:s15], $0x5FFFF  }
0xc4: {  	[dreg:$0x1] =	wrdreg $0xFFFFFFFF  }
0xc5: {  	[dreg:$0x0] =	wrdreg $0x30  }
0xc6: {  	[dreg:$0x2] =	wrdreg $0x0  }
0xc7: {  	[dreg:$0x3] =	wrdreg s16  }
0xc8: {  	[dreg:$0x4] =	wrdreg s17  }
0xc9: {  	[dreg:$0x5] =	wrdreg s18  }
0xca: {  	[dreg:$0x6] =	wrdreg s19  }
0xcb: {  	[dreg:$0x7] =	wrdreg s20  }
0xcc: {  	[dreg:$0x8] =	wrdreg s21  }
0xcd: {  	[dreg:$0x9] =	wrdreg s22  }
0xce: {  	[dreg:$0xa] =	wrdreg $0x9  }
0xcf: {  	_ =	task [dreg:s15], $0xBFFFF  }
0xd0: {  	[dreg:$0x1] =	wrdreg $0xFFFFFFFF  }
0xd1: {  	[dreg:$0x0] =	wrdreg $0x60  }
0xd2: {  	[dreg:$0x2] =	wrdreg s28  }
0xd3: {  	[dreg:$0x3] =	wrdreg s2  }
0xd4: {  	[dreg:$0x4] =	wrdreg s3  }
0xd5: {  	[dreg:$0x5] =	wrdreg s4  }
0xd6: {  	[dreg:$0x6] =	wrdreg s5  }
0xd7: {  	[dreg:$0x7] =	wrdreg s6  }
0xd8: {  	[dreg:$0x8] =	wrdreg s7  }
0xd9: {  	[dreg:$0x9] =	wrdreg s8  }
0xda: {  	[dreg:$0xa] =	wrdreg s9  }
0xdb: {  	[dreg:$0xb] =	wrdreg s10  }
0xdc: {  	[dreg:$0xc] =	wrdreg s11  }
0xdd: {  	[dreg:$0xd] =	wrdreg s12  }
0xde: {  	[dreg:$0xe] =	wrdreg s13  }
0xdf: {  	[dreg:$0xf] =	wrdreg s14  }
0xe0: {  	_ =	task.clear_ibuf [dreg:s15], $0x10FFFF;
	_ =	strace $0x90000046  }
0xe1: {  	s28 =	simm.s32 $0x9;
	_ =	strace $0x80000048  }
0xe2: {  	_ =	swait.ge [sflag:s28], $0x1  }
0xe3: {  	[sflag:s28] =	ssyncadd.s32 $0xFFFFFFFF  }
0xe4: {  	_ =	strace $0x90000048  }
0xe5: {  	_ =	sfence  }
0xe6: {  	s29 =	sld [smem:$0x0];
	_ =	sdelay $0x2  }
0xe7: {  	s30 =	sshll.u32 s1, $0xD;
	s1 =	sshrl.u32 s1, $0x2  }
0xe8: {  	s31 =	sand.u32 $0x4000, s30;
	s1 =	sadd.s32 s1, s29  }
0xe9: {  	s0 =	sor.u32 s31, s0;
	s1 =	sshll.u32 s1, $0x11  }
0xea: {  	s0 =	sor.u32 s1, s0  }
0xeb: {  	s0 =	sadd.s32 $0x8F2B, s0  }
0xec: {  	[sflag:s0] =	ssyncadd.remote.s32 $0x1  }
0xed: {  	_ =	sfence.sel $0xFFFF  }
0xee: {  	[dreg:$0x0] =	wrdreg $0xFFFFFFFF;
	(pc) =	sbr.abs _section_cstart, $3  }
0xef: {  	[dreg:$0x1] =	wrdreg $0xFFFFFFFF  }
0xf0: {  	_ =	task.clear_ibuf [dreg:s15], $0x2FFFF;
	_ =	strace $0x9FFFFFFF  }
0xf1: {  	(tm) =	ssettm $0x7FFFFFFF  }
tec
_tile_task_arg_handler_lowered:
.L_overlay_start_1:
0x0: {  	(tag) =	ssettag $0x1  }
0x1: {  	s0 =	rddreg [dreg:$0x0]  }
0x2: {  	s1 =	rddreg [dreg:$0x1]  }
0x3: {  	s2 =	rddreg [dreg:$0x2]  }
0x4: {  	s3 =	rddreg [dreg:$0x3]  }
0x5: {  	s4 =	rddreg [dreg:$0x4]  }
0x6: {  	s5 =	rddreg [dreg:$0x5]  }
0x7: {  	s6 =	rddreg [dreg:$0x6]  }
0x8: {  	s7 =	rddreg [dreg:$0x7]  }
0x9: {  	s8 =	rddreg [dreg:$0x8]  }
0xa: {  	s9 =	rddreg [dreg:$0x9]  }
0xb: {  	s10 =	rddreg [dreg:$0xa]  }
0xc: {  	s11 =	rddreg [dreg:$0xb]  }
0xd: {  	s12 =	rddreg [dreg:$0xc]  }
0xe: {  	s13 =	rddreg [dreg:$0xd]  }
0xf: {  	[smem:s0] =	sst s1  }
0x10: {  	[smem:s0+$0x1] =	sst s2  }
0x11: {  	[smem:s0+$0x2] =	sst s3  }
0x12: {  	[smem:s0+$0x3] =	sst s4  }
0x13: {  	[smem:s0+$0x4] =	sst s5  }
0x14: {  	[smem:s0+$0x5] =	sst s6  }
0x15: {  	[smem:s0+$0x6] =	sst s7  }
0x16: {  	[smem:s0+$0x7] =	sst s8  }
0x17: {  	[smem:s0+$0x8] =	sst s9  }
0x18: {  	[smem:s0+$0x9] =	sst s10  }
0x19: {  	[smem:s0+$0xA] =	sst s11  }
0x1a: {  	[smem:s0+$0xB] =	sst s12  }
0x1b: {  	[smem:s0+$0xC] =	sst s13;
	_ =	shalt  }
.Lfunc_end2:
execute0_lowered:
.L_overlay_start_2:
0x1c: {  	(tag) =	ssettag $0x2  }
0x1d: {  	vm3 =	vcmask $0xB08;
	v0 =	vimm.f32 $0.0e+00  }
0x1e: {  	v1 =	vlaneseq.u32;
	v0 =	vsel vm3, $0x3F800000, v0  }
0x1f: {  	[tilespmem:$0x1FCD0] =	vst v0;
	v0 =	vshrl.u32 v1, $0x3  }
0x20: {  	v14 =	vmul.u32 $0x30, v0;
	v0 =	vimm.s32 $0xC0  }
0x21: {  	v0 =	vsel vm3, $0xF0, v0  }
0x22: {  	[tilespmem:$0x1FCE0] =	vst v0;
	v0 =	vimm.s32 $0xA0  }
0x23: {  	v2 =	vand.u32 $0x7, v1;
	v1 =	vimm.s32 $0xB0;
	v0 =	vsel vm3, $0xD0, v0  }
0x24: {  	[tilespmem:$0x1FCF0] =	vst v0;
	v0 =	vsel vm3, $0xE0, v1  }
0x25: {  	[tilespmem:$0x1FD00] =	vst v0;
	v0 =	vimm.s32 $0xC1  }
0x26: {  	v0 =	vsel vm3, $0xF1, v0  }
0x27: {  	[tilespmem:$0x1FD10] =	vst v0;
	v0 =	vimm.s32 $0xA1  }
0x28: {  	v1 =	vimm.s32 $0xB1;
	v0 =	vsel vm3, $0xD1, v0  }
0x29: {  	[tilespmem:$0x1FD20] =	vst v0;
	v0 =	vsel vm3, $0xE1, v1  }
0x2a: {  	[tilespmem:$0x1FD30] =	vst v0;
	v0 =	vimm.s32 $0xC2  }
0x2b: {  	v0 =	vsel vm3, $0xF2, v0  }
0x2c: {  	[tilespmem:$0x1FD40] =	vst v0;
	v0 =	vimm.s32 $0xA2  }
0x2d: {  	v1 =	vimm.s32 $0xB2;
	v0 =	vsel vm3, $0xD2, v0  }
0x2e: {  	[tilespmem:$0x1FD50] =	vst v0;
	v0 =	vsel vm3, $0xE2, v1  }
0x2f: {  	[tilespmem:$0x1FD60] =	vst v0;
	v0 =	vimm.s32 $0xC3  }
0x30: {  	v0 =	vsel vm3, $0xF3, v0  }
0x31: {  	[tilespmem:$0x1FD70] =	vst v0;
	v0 =	vimm.s32 $0xA3  }
0x32: {  	v1 =	vimm.s32 $0xB3;
	v0 =	vsel vm3, $0xD3, v0  }
0x33: {  	[tilespmem:$0x1FD80] =	vst v0;
	v0 =	vsel vm3, $0xE3, v1  }
0x34: {  	[tilespmem:$0x1FD90] =	vst v0;
	v0 =	vimm.s32 $0xC4  }
0x35: {  	v0 =	vsel vm3, $0xF4, v0  }
0x36: {  	[tilespmem:$0x1FDA0] =	vst v0;
	v0 =	vimm.s32 $0xA4  }
0x37: {  	v1 =	vimm.s32 $0xB4;
	v0 =	vsel vm3, $0xD4, v0  }
0x38: {  	[tilespmem:$0x1FDB0] =	vst v0;
	v0 =	vsel vm3, $0xE4, v1  }
0x39: {  	[tilespmem:$0x1FDC0] =	vst v0;
	v0 =	vimm.s32 $0xC5  }
0x3a: {  	v0 =	vsel vm3, $0xF5, v0  }
0x3b: {  	[tilespmem:$0x1FDD0] =	vst v0;
	v0 =	vimm.s32 $0xA5  }
0x3c: {  	v1 =	vimm.s32 $0xB5;
	v0 =	vsel vm3, $0xD5, v0  }
0x3d: {  	[tilespmem:$0x1FDE0] =	vst v0;
	v0 =	vsel vm3, $0xE5, v1  }
0x3e: {  	[tilespmem:$0x1FDF0] =	vst v0;
	v0 =	vimm.s32 $0xC6  }
0x3f: {  	v0 =	vsel vm3, $0xF6, v0  }
0x40: {  	[tilespmem:$0x1FE00] =	vst v0;
	v0 =	vimm.s32 $0xA6  }
0x41: {  	v1 =	vimm.s32 $0xB6;
	v0 =	vsel vm3, $0xD6, v0  }
0x42: {  	s4 =	rddreg [dreg:$0x0];
	[tilespmem:$0x1FE10] =	vst v0;
	v0 =	vsel vm3, $0xE6, v1  }
0x43: {  	s1 =	rddreg [dreg:$0x1];
	[tilespmem:$0x1FE20] =	vst v0;
	v0 =	vimm.s32 $0xC7  }
0x44: {  	s0 =	rddreg [dreg:$0x2];
	v0 =	vsel vm3, $0xF7, v0  }
0x45: {  	s7 =	rddreg [dreg:$0x3];
	[tilespmem:$0x1FE30] =	vst v0;
	v0 =	vimm.s32 $0xA7  }
0x46: {  	s8 =	rddreg [dreg:$0x4];
	v1 =	vimm.s32 $0xB7;
	v0 =	vsel vm3, $0xD7, v0  }
0x47: {  	s9 =	rddreg [dreg:$0x5];
	[tilespmem:$0x1FE40] =	vst v0;
	v0 =	vsel vm3, $0xE7, v1  }
0x48: {  	s10 =	rddreg [dreg:$0x6];
	[tilespmem:$0x1FE50] =	vst v0;
	v0 =	vimm.s32 $0xC8  }
0x49: {  	s11 =	rddreg [dreg:$0x7];
	v0 =	vsel vm3, $0xF8, v0  }
0x4a: {  	s12 =	rddreg [dreg:$0x8];
	[tilespmem:$0x1FE60] =	vst v0;
	v0 =	vimm.s32 $0xA8  }
0x4b: {  	s13 =	rddreg [dreg:$0x9];
	v1 =	vimm.s32 $0xB8;
	v0 =	vsel vm3, $0xD8, v0  }
0x4c: {  	s14 =	rddreg [dreg:$0xa];
	[tilespmem:$0x1FE70] =	vst v0;
	v0 =	vsel vm3, $0xE8, v1  }
0x4d: {  	s15 =	rddreg [dreg:$0xb];
	[tilespmem:$0x1FE80] =	vst v0;
	v0 =	vimm.s32 $0xC9  }
0x4e: {  	s16 =	rddreg [dreg:$0xc];
	v0 =	vsel vm3, $0xF9, v0  }
0x4f: {  	s17 =	rddreg [dreg:$0xd];
	[tilespmem:$0x1FE90] =	vst v0;
	v0 =	vimm.s32 $0xA9  }
0x50: {  	[dreg:$0xe] =	wrdreg s0;
	v1 =	vimm.s32 $0xB9;
	v0 =	vsel vm3, $0xD9, v0  }
0x51: {  	[dreg:$0xf] =	wrdreg s7;
	[tilespmem:$0x1FEA0] =	vst v0;
	v0 =	vsel vm3, $0xE9, v1  }
0x52: {  	[dreg:$0x10] =	wrdreg s8;
	[tilespmem:$0x1FEB0] =	vst v0;
	v0 =	vimm.s32 $0xCA  }
0x53: {  	[dreg:$0x11] =	wrdreg s9;
	v0 =	vsel vm3, $0xFA, v0  }
0x54: {  	[dreg:$0x12] =	wrdreg s10;
	[tilespmem:$0x1FEC0] =	vst v0;
	v0 =	vimm.s32 $0xAA  }
0x55: {  	[dreg:$0x13] =	wrdreg s11;
	v1 =	vimm.s32 $0xBA;
	v0 =	vsel vm3, $0xDA, v0  }
0x56: {  	[dreg:$0x14] =	wrdreg s12;
	[tilespmem:$0x1FED0] =	vst v0;
	v0 =	vsel vm3, $0xEA, v1  }
0x57: {  	[dreg:$0x15] =	wrdreg s13;
	[tilespmem:$0x1FEE0] =	vst v0;
	v0 =	vimm.s32 $0xCB  }
0x58: {  	[dreg:$0x16] =	wrdreg s14;
	v0 =	vsel vm3, $0xFB, v0  }
0x59: {  	[dreg:$0x17] =	wrdreg s15;
	[tilespmem:$0x1FEF0] =	vst v0;
	v0 =	vimm.s32 $0xAB  }
0x5a: {  	[dreg:$0x18] =	wrdreg s16;
	v1 =	vimm.s32 $0xBB;
	v0 =	vsel vm3, $0xDB, v0  }
0x5b: {  	[dreg:$0x19] =	wrdreg s17;
	s0 =	simm.s32 $0x0;
	[tilespmem:$0x1FF00] =	vst v0;
	v0 =	vsel vm3, $0xEB, v1  }
0x5c: {  	[smem:$0x7FF] =	sst s0;
	[tilespmem:$0x1FF10] =	vst v0;
	v0 =	vimm.s32 $0xCC  }
0x5d: {  	s2 =	sld [smem:$0x0];
	v0 =	vsel vm3, $0xFC, v0  }
0x5e: {  	s3 =	sld [smem:$0x1];
	[tilespmem:$0x1FF20] =	vst v0;
	v0 =	vimm.s32 $0xAC  }
0x5f: {  	s5 =	sld [smem:$0x2];
	v1 =	vimm.s32 $0xBC;
	v0 =	vsel vm3, $0xDC, v0  }
0x60: {  	s18 =	sld [smem:$0x3];
	[tilespmem:$0x1FF30] =	vst v0;
	v0 =	vsel vm3, $0xEC, v1  }
0x61: {  	s19 =	sld [smem:$0x4];
	[tilespmem:$0x1FF40] =	vst v0;
	v0 =	vimm.s32 $0xCD  }
0x62: {  	vm0 =	vmmov $0xff;
	vm1 =	vcmask $0x3F08;
	s20 =	sld [smem:$0x5];
	v0 =	vsel vm3, $0xFD, v0  }
0x63: {  	vm2 =	vmmov $0x1;
	s21 =	srdreg.scid;
	vm4 =	vcmask $0x3F0C;
	s25 =	sld [smem:$0x7];
	[tilespmem:$0x1FF50] =	vst v0;
	v0 =	vimm.s32 $0xAD  }
0x64: {  	s22 =	stileid.u32;
	vm5 =	vcmask $0x3F04;
	[dreg:$0x1a] =	wrdreg s2;
	v1 =	vimm.s32 $0xBD;
	v0 =	vsel vm3, $0xDD, v0  }
0x65: {  	vm6 =	vcmask $0x1714;
	vm7 =	vcmask $0x3F10;
	s28 =	simm.s32 $0x1F0;
	s29 =	simm.s32 $0x1;
	[dreg:$0x1b] =	wrdreg s3;
	[tilespmem:$0x1FF60] =	vst v0;
	v0 =	vsel vm3, $0xED, v1  }
0x66: {  	s30 =	simm.s32 $0x200;
	s31 =	simm.s32 $0x280;
	v6 =	vadd.s32 $0x60, v14;
	v7 =	vor.u32 $0x40, v14;
	[dreg:$0x1c] =	wrdreg s5;
	[tilespmem:$0x1FF70] =	vst v0;
	v0 =	vimm.s32 $0xCE  }
0x67: {  	s23 =	sshll.u32 s22, $0x5;
	s9 =	simm.s32 $0x100;
	v10 =	vadd.s32 $0x50, v14;
	v11 =	vadd.s32 $0x61, v14;
	[dreg:$0x1d] =	wrdreg s18;
	v0 =	vsel vm3, $0xFE, v0  }
0x68: {  	s12 =	simm.s32 $0x118;
	s13 =	simm.s32 $0x120;
	v4 =	vadd.s32 $0x51, v14;
	v8 =	vadd.s32 $0x62, v14;
	[dreg:$0x1e] =	wrdreg s19;
	[tilespmem:$0x1FF80] =	vst v0;
	v0 =	vimm.s32 $0xAE  }
0x69: {  	s14 =	simm.s32 $0x128;
	s15 =	simm.s32 $0x130;
	v13 =	vor.u32 $0x42, v14;
	[dreg:$0x1f] =	wrdreg s20;
	v1 =	vimm.s32 $0xBE;
	v0 =	vsel vm3, $0xDE, v0  }
0x6a: {  	s16 =	simm.s32 $0x140;
	s17 =	simm.s32 $0x150;
	v15 =	vadd.s32 $0x52, v14;
	v16 =	vadd.s32 $0x63, v14;
	s3 =	sld [smem:$0x6];
	[tilespmem:$0x1FF90] =	vst v0;
	v0 =	vsel vm3, $0xEE, v1  }
0x6b: {  	s22 =	simm.s32 $0x1A0;
	v17 =	vor.u32 $0x43, v14;
	v18 =	vadd.s32 $0x53, v14;
	s2 =	sand.u32 $0x1, s21;
	[smem:$0x7FD] =	sst s25;
	[tilespmem:$0x1FFA0] =	vst v0;
	v0 =	vimm.s32 $0xCF  }
0x6c: {  	v19 =	vadd.s32 $0x64, v14;
	v20 =	vor.u32 $0x44, v14;
	s18 =	simm.s32 $0x160;
	s19 =	simm.s32 $0x170;
	s20 =	simm.s32 $0x180;
	v0 =	vsel vm3, $0xFF, v0  }
0x6d: {  	v12 =	vadd.s32 $0x54, v14;
	v21 =	vadd.s32 $0x65, v14;
	s21 =	simm.s32 $0x190;
	s6 =	sshll.u32 s2, $0x4;
	s24 =	ssub.s32 $0x2, s2;
	[tilespmem:$0x1FFB0] =	vst v0;
	v0 =	vimm.s32 $0xAF  }
0x6e: {  	v22 =	vor.u32 $0x45, v14;
	s25 =	simm.s32 $0x1D0;
	s5 =	sor.u32 s6, s23;
	s26 =	sshrl.u32 s24, $0x1;
	v1 =	vimm.s32 $0xBF;
	v0 =	vsel vm3, $0xDF, v0  }
0x6f: {  	v23 =	vadd.s32 $0x55, v14;
	s23 =	simm.s32 $0x1B0;
	s7 =	sadd.s32 s5, s4;
	s8 =	ssub.s32 s24, s26;
	[tilespmem:$0x1FFC0] =	vst v0;
	v0 =	vsel vm3, $0xEF, v1;
	v1 =	vmul.u32 $0x10, v2  }
0x70: {  	v24 =	vadd.s32 $0x66, v14;
	s5 =	sadd.s32 s1, s5;
	s24 =	simm.s32 $0x1C0;
	s26 =	simm.s32 $0x1E0;
	vm3 =	vcmask $0x70C;
	[tilespmem:$0x1FFD0] =	vst v0;
	v0 =	vimm.f32 $1.000000000e+00  }
0x71: {  	[tilespmem:$0x1FFE0] =	vst v2;
	s1 =	simm.s32 $0x2;
	s4 =	sadd.s32 $0x400, s7;
	s6 =	sadd.s32 $0x600, s7;
	v63 =	vand.u32 $0x7FFFFFFF, v0;
	v0 =	vor.u32 $0x1, v1;
	v2 =	vor.u32 $0x2, v1  }
0x72: {  	s7 =	smax.u32 s8, $0x1;
	s8 =	simm.s32 $0x80;
	_ =	strace $0x80000047;
	v3 =	vor.u32 $0x3, v1;
	v5 =	vor.u32 $0x4, v1;
	[tilespmem:$0x1FFF0] =	vst v0;
	v0 =	vor.u32 $0x41, v14  }
.LBB3_1:
0x73: {  	[tilespmem:s0], [sflag:$0x1] =	stream.linear.gather [hbm4b:s4+s0], $0x80, $0x38;
	[tilespmem:$0x300] =	vst v63  }
0x74: {  	_ = 	snop  }
0x75: {  	[tilespmem:s8], [sflag:$0x1] =	stream.linear.gather [hbm4b:s5+s0], $0x80, $0x38;
	[tilespmem:$0x300] =	vst v63  }
0x76: {  	s2 =	rddreg [dreg:$0xe]  }
0x77: {  	[tilespmem:s9], [sflag:$0x1] =	stream.linear.gather [hbm4b:s2+s0], $0x2, $0x38;
	[tilespmem:$0x300] =	vst v63  }
0x78: {  	s10 =	rddreg [dreg:$0xf];
	s11 =	simm.s32 $0x108  }
0x79: {  	[tilespmem:s11], [sflag:$0x1] =	stream.linear.gather [hbm4b:s10+s0], $0x1, $0x38;
	[tilespmem:$0x300] =	vst v63  }
0x7a: {  	s2 =	rddreg [dreg:$0x10];
	s11 =	simm.s32 $0x110  }
0x7b: {  	[tilespmem:s11], [sflag:$0x1] =	stream.linear.gather [hbm4b:s2+s0], $0x4, $0x38;
	[tilespmem:$0x300] =	vst v63  }
0x7c: {  	s10 =	rddreg [dreg:$0x11]  }
0x7d: {  	[tilespmem:s12], [sflag:$0x1] =	stream.linear.gather [hbm4b:s10+s0], $0x1, $0x38;
	[tilespmem:$0x300] =	vst v63  }
0x7e: {  	s2 =	rddreg [dreg:$0x12]  }
0x7f: {  	[tilespmem:s13], [sflag:$0x1] =	stream.linear.gather [hbm4b:s2+s0], $0x1, $0x38;
	[tilespmem:$0x300] =	vst v63  }
0x80: {  	s11 =	rddreg [dreg:$0x13]  }
0x81: {  	[tilespmem:s14], [sflag:$0x1] =	stream.linear.gather [hbm4b:s11+s0], $0x1, $0x38;
	[tilespmem:$0x300] =	vst v63  }
0x82: {  	s2 =	rddreg [dreg:$0x14]  }
0x83: {  	[tilespmem:s15], [sflag:$0x1] =	stream.linear.gather [hbm4b:s2+s0], $0x1, $0x38;
	[tilespmem:$0x300] =	vst v63  }
0x84: {  	s11 =	rddreg [dreg:$0x15]  }
0x85: {  	[tilespmem:s16], [sflag:$0x1] =	stream.linear.gather [hbm4b:s11+s0], $0x10, $0x38;
	[tilespmem:$0x300] =	vst v63  }
0x86: {  	s2 =	rddreg [dreg:$0x16]  }
0x87: {  	[tilespmem:s17], [sflag:$0x1] =	stream.linear.gather [hbm4b:s2+s0], $0x10, $0x38;
	[tilespmem:$0x300] =	vst v63  }
0x88: {  	s11 =	rddreg [dreg:$0x17]  }
0x89: {  	[tilespmem:s18], [sflag:$0x1] =	stream.linear.gather [hbm4b:s11+s0], $0x10, $0x38;
	[tilespmem:$0x300] =	vst v63  }
0x8a: {  	s2 =	rddreg [dreg:$0x18]  }
0x8b: {  	[tilespmem:s19], [sflag:$0x1] =	stream.linear.gather [hbm4b:s2+s0], $0x10, $0x38;
	[tilespmem:$0x300] =	vst v63  }
0x8c: {  	s11 =	rddreg [dreg:$0x19]  }
0x8d: {  	[tilespmem:s20], [sflag:$0x1] =	stream.linear.gather [hbm4b:s11+s0], $0x10, $0x38;
	[tilespmem:$0x300] =	vst v63  }
0x8e: {  	s2 =	rddreg [dreg:$0x1a]  }
0x8f: {  	[tilespmem:s21], [sflag:$0x1] =	stream.linear.gather [hbm4b:s2+s0], $0x10, $0x38;
	[tilespmem:$0x300] =	vst v63  }
0x90: {  	s11 =	rddreg [dreg:$0x1b]  }
0x91: {  	[tilespmem:s22], [sflag:$0x1] =	stream.linear.gather [hbm4b:s11+s0], $0x10, $0x38;
	[tilespmem:$0x300] =	vst v63  }
0x92: {  	s2 =	rddreg [dreg:$0x1c]  }
0x93: {  	[tilespmem:s23], [sflag:$0x1] =	stream.linear.gather [hbm4b:s2+s0], $0x10, $0x38;
	[tilespmem:$0x300] =	vst v63  }
0x94: {  	s11 =	rddreg [dreg:$0x1d]  }
0x95: {  	[tilespmem:s24], [sflag:$0x1] =	stream.linear.gather [hbm4b:s11+s0], $0x10, $0x38;
	[tilespmem:$0x300] =	vst v63  }
0x96: {  	s2 =	rddreg [dreg:$0x1e]  }
0x97: {  	[tilespmem:s25], [sflag:$0x1] =	stream.linear.gather [hbm4b:s2+s0], $0x10, $0x38;
	[tilespmem:$0x300] =	vst v63  }
0x98: {  	s11 =	rddreg [dreg:$0x1f]  }
0x99: {  	[tilespmem:s26], [sflag:$0x1] =	stream.linear.gather [hbm4b:s11+s0], $0x10, $0x38;
	[tilespmem:$0x300] =	vst v63  }
0x9a: {  	_ = 	snop  }
0x9b: {  	[tilespmem:s28], [sflag:$0x1] =	stream.linear.gather [hbm4b:s3+s0], $0x10, $0x38;
	[tilespmem:$0x300] =	vst v63  }
0x9c: {  	_ =	swait.ge [sflag:s29], $0x80  }
0x9d: {  	[sflag:s29] =	ssyncset.done $0x0  }
0x9e: {  	[sflag:s29] =	ssyncadd.s32 $0xFFFFFF80  }
0x9f: {  	_ =	swait.ge [sflag:s29], $0x80  }
0xa0: {  	[sflag:s29] =	ssyncset.done $0x0  }
0xa1: {  	[sflag:s29] =	ssyncadd.s32 $0xFFFFFF80  }
0xa2: {  	_ =	swait.ge [sflag:s29], $0x2  }
0xa3: {  	[sflag:s29] =	ssyncset.done $0x0  }
0xa4: {  	[sflag:s29] =	ssyncadd.s32 $0xFFFFFFFE  }
0xa5: {  	_ =	swait.ge [sflag:s29], $0x1  }
0xa6: {  	[sflag:s29] =	ssyncset.done $0x0  }
0xa7: {  	[sflag:s29] =	ssyncadd.s32 $0xFFFFFFFF  }
0xa8: {  	_ =	swait.ge [sflag:s29], $0x4  }
0xa9: {  	[sflag:s29] =	ssyncset.done $0x0  }
0xaa: {  	[sflag:s29] =	ssyncadd.s32 $0xFFFFFFFC  }
0xab: {  	_ =	swait.ge [sflag:s29], $0x1  }
0xac: {  	[sflag:s29] =	ssyncset.done $0x0  }
0xad: {  	[sflag:s29] =	ssyncadd.s32 $0xFFFFFFFF  }
0xae: {  	_ =	swait.ge [sflag:s29], $0x1  }
0xaf: {  	[sflag:s29] =	ssyncset.done $0x0  }
0xb0: {  	[sflag:s29] =	ssyncadd.s32 $0xFFFFFFFF  }
0xb1: {  	_ =	swait.ge [sflag:s29], $0x1  }
0xb2: {  	[sflag:s29] =	ssyncset.done $0x0  }
0xb3: {  	[sflag:s29] =	ssyncadd.s32 $0xFFFFFFFF  }
0xb4: {  	_ =	swait.ge [sflag:s29], $0x1  }
0xb5: {  	[sflag:s29] =	ssyncset.done $0x0  }
0xb6: {  	[sflag:s29] =	ssyncadd.s32 $0xFFFFFFFF  }
0xb7: {  	_ =	swait.ge [sflag:s29], $0x10  }
0xb8: {  	[sflag:s29] =	ssyncset.done $0x0  }
0xb9: {  	[sflag:s29] =	ssyncadd.s32 $0xFFFFFFF0  }
0xba: {  	_ =	swait.ge [sflag:s29], $0x10  }
0xbb: {  	[sflag:s29] =	ssyncset.done $0x0  }
0xbc: {  	[sflag:s29] =	ssyncadd.s32 $0xFFFFFFF0  }
0xbd: {  	_ =	swait.ge [sflag:s29], $0x10  }
0xbe: {  	[sflag:s29] =	ssyncset.done $0x0  }
0xbf: {  	[sflag:s29] =	ssyncadd.s32 $0xFFFFFFF0  }
0xc0: {  	_ =	swait.ge [sflag:s29], $0x10  }
0xc1: {  	[sflag:s29] =	ssyncset.done $0x0  }
0xc2: {  	[sflag:s29] =	ssyncadd.s32 $0xFFFFFFF0  }
0xc3: {  	_ =	swait.ge [sflag:s29], $0x10  }
0xc4: {  	[sflag:s29] =	ssyncset.done $0x0  }
0xc5: {  	[sflag:s29] =	ssyncadd.s32 $0xFFFFFFF0  }
0xc6: {  	_ =	swait.ge [sflag:s29], $0x10  }
0xc7: {  	[sflag:s29] =	ssyncset.done $0x0  }
0xc8: {  	[sflag:s29] =	ssyncadd.s32 $0xFFFFFFF0  }
0xc9: {  	_ =	swait.ge [sflag:s29], $0x10  }
0xca: {  	[sflag:s29] =	ssyncset.done $0x0  }
0xcb: {  	[sflag:s29] =	ssyncadd.s32 $0xFFFFFFF0  }
0xcc: {  	_ =	swait.ge [sflag:s29], $0x10  }
0xcd: {  	[sflag:s29] =	ssyncset.done $0x0  }
0xce: {  	[sflag:s29] =	ssyncadd.s32 $0xFFFFFFF0  }
0xcf: {  	_ =	swait.ge [sflag:s29], $0x10  }
0xd0: {  	[sflag:s29] =	ssyncset.done $0x0  }
0xd1: {  	[sflag:s29] =	ssyncadd.s32 $0xFFFFFFF0  }
0xd2: {  	_ =	swait.ge [sflag:s29], $0x10  }
0xd3: {  	[sflag:s29] =	ssyncset.done $0x0  }
0xd4: {  	[sflag:s29] =	ssyncadd.s32 $0xFFFFFFF0  }
0xd5: {  	_ =	swait.ge [sflag:s29], $0x10  }
0xd6: {  	v9 =	vimm.s32 $0x7;
	[sflag:s29] =	ssyncset.done $0x0  }
0xd7: {  	[sflag:s29] =	ssyncadd.s32 $0xFFFFFFF0  }
0xd8: {  	_ =	swait.ge [sflag:s29], $0x10  }
0xd9: {  	[sflag:s29] =	ssyncset.done $0x0  }
0xda: {  	[sflag:s29] =	ssyncadd.s32 $0xFFFFFFF0  }
0xdb: {  	v27 =	vld.idx.msk [tilespmem:v9+s0+$0x0], $0xffff;
	v9 =	vimm.s32 $0x9;
	_ =	sdelay $0x4  }
0xdc: {  	v29 =	vld.idx.msk [tilespmem:v9+s0+$0x0], $0xffff;
	v9 =	vimm.s32 $0xA;
	_ =	sdelay $0x4  }
0xdd: {  	v30 =	vld.idx.msk [tilespmem:v9+s0+$0x0], $0xffff;
	v9 =	vimm.s32 $0xB;
	_ =	sdelay $0x2  }
0xde: {  	v26 =	vimm.s32 $0x2;
	_ =	sdelay $0x1  }
0xdf: {  	v31 =	vld.idx.msk [tilespmem:v9+s0+$0x0], $0xffff;
	v9 =	vimm.s32 $0xC;
	_ =	sdelay $0x2  }
0xe0: {  	v33 =	vld.idx.msk [tilespmem:v26+s0+$0x0], $0xffff  }
0xe1: {  	v26 =	vld.idx.msk [tilespmem:v1+s8+$0x0], $0xffff  }
0xe2: {  	v32 =	vld.idx.msk [tilespmem:v9+s0+$0x0], $0xffff;
	v9 =	vimm.s32 $0xD;
	_ =	sdelay $0x3  }
0xe3: {  	v26 =	vnsel vm0, $0x0, v26  }
0xe4: {  	vm8 =	veq.f32 v26, v27;
	v27 =	vld.idx.msk [tilespmem:v9+s0+$0x0], $0xffff;
	v9 =	vimm.s32 $0xE;
	_ =	sdelay $0x1  }
0xe5: {  	v37 =	vimm.s32 $0x8;
	_ =	sdelay $0x2  }
0xe6: {  	v46 =	vld.idx.msk [tilespmem:v9+s0+$0x0], $0xffff  }
0xe7: {  	v9 =	vld [tilespmem:$0x1FFF0]  }
0xe8: {  	v36 =	vimm.s32 $0x1;
	v28 =	vld.idx.msk [tilespmem:v37+s0+$0x0], $0xffff;
	_ =	sdelay $0x4  }
0xe9: {  	v25 =	vld.idx.msk [tilespmem:v36+s0+$0x0], $0xffff;
	vm9 =	veq.f32 v26, v28  }
0xea: {  	v48 =	vld.idx.msk [tilespmem:v2+s8+$0x0], $0xffff;
	vm8 =	vmor vm8, vm9;
	vm12 =	veq.f32 v26, v29  }
0xeb: {  	vm8 =	vmor vm8, vm12;
	vm13 =	veq.f32 v26, v30;
	v47 =	vld.idx.msk [tilespmem:v9+s8+$0x0], $0xffff  }
0xec: {  	vm8 =	vmor vm8, vm13;
	vm14 =	veq.f32 v26, v31  }
0xed: {  	vm10 =	vgt.f32 v26, $0.0e+00;
	vm8 =	vmor vm8, vm14;
	vm15 =	veq.f32 v26, v32  }
0xee: {  	vm14 =	vlt.f32 v26, $0.0e+00;
	vm8 =	vmor vm8, vm15;
	vm12 =	veq.f32 v26, v27  }
0xef: {  	vm9 =	vmor vm10, vm14;
	vm8 =	vmor vm8, vm12;
	vm13 =	veq.f32 v26, v46  }
0xf0: {  	v27 =	vsub.f32 v48, v33;
	vm8 =	vmor vm8, vm13;
	v25 =	vsub.f32 v47, v25  }
0xf1: {  	vm8 =	vmand vm9, vm8  }
0xf2: {  	v26 =	vnsel vm8, $0x0, v25;
	v25 =	vnsel vm8, $0x0, v27  }
0xf3: {  	v27 =	vmul.f32 v26, v26;
	v49 =	vmul.f32 v25, v25;
	_ =	sdelay $0x1  }
0xf4: {  	v27 =	vadd.f32 v49, v27;
	_ =	sdelay $0x1  }
0xf5: {  	v27 =	vnsel vm0, $0x3F800000, v27  }
0xf6: {  	v27 =	vmax.f32 v27, $1.000000000e-30  }
0xf7: {  	v50 =	vshra.s32 v27, $0x1;
	v51 =	vmul.f32 $5.000000000e-01, v27  }
0xf8: {  	v28 =	vsub.s32 $0x5F3759DF, v50  }
0xf9: {  	v52 =	vmul.f32 v28, v51;
	_ =	sdelay $0x1  }
0xfa: {  	v30 =	vmul.f32 v28, v52;
	_ =	sdelay $0x1  }
0xfb: {  	v30 =	vsub.f32 $1.500000000e+00, v30;
	_ =	sdelay $0x1  }
0xfc: {  	v28 =	vmul.f32 v28, v30;
	_ =	sdelay $0x1  }
0xfd: {  	v30 =	vmul.f32 v28, v51;
	_ =	sdelay $0x1  }
0xfe: {  	v30 =	vmul.f32 v30, v28;
	_ =	sdelay $0x1  }
0xff: {  	v53 =	vld.idx.msk [tilespmem:v3+s8+$0x0], $0xffff;
	v30 =	vsub.f32 $1.500000000e+00, v30  }
0x100: {  	v54 =	vld.idx.msk [tilespmem:v5+s8+$0x0], $0xffff  }
0x101: {  	v28 =	vmul.f32 v30, v28;
	_ =	sdelay $0x1  }
0x102: {  	v29 =	vmul.f32 v28, v51  }
0x103: {  	v55 =	vnsel vm0, $0x0, v53  }
0x104: {  	v56 =	vnsel vm0, $0x0, v54;
	v57 =	vmul.f32 $1.999999960e-02, v55;
	v29 =	vmul.f32 v29, v28  }
0x105: {  	v34 =	vmul.f32 $1.999999960e-02, v56  }
0x106: {  	v32 =	vadd.f32 v57, v26;
	v29 =	vsub.f32 $1.500000000e+00, v29  }
0x107: {  	v31 =	vmul.f32 v56, v56;
	v34 =	vadd.f32 v34, v25  }
0x108: {  	v58 =	vmul.f32 v32, v32;
	v29 =	vmul.f32 v29, v28  }
0x109: {  	v59 =	vmul.f32 v34, v34;
	v30 =	vmul.f32 v55, v55  }
0x10a: {  	v39 =	vmul.f32 v29, v27  }
0x10b: {  	v60 =	vadd.f32 v31, v30;
	v27 =	vadd.f32 v59, v58  }
0x10c: {  	v61 =	vnsel vm0, $0x0, v39  }
0x10d: {  	v28 =	vmul.f32 $-3.999999900e-04, v60;
	v27 =	vadd.f32 v61, v27;
	_ =	sdelay $0x1  }
0x10e: {  	v27 =	vadd.f32 v28, v27;
	_ =	sdelay $0x1  }
0x10f: {  	v62 =	vmax.f32 v27, $9.999999960e-13  }
0x110: {  	v27 =	vshra.s32 v62, $0x1;
	v40 =	vmul.f32 $5.000000000e-01, v62  }
0x111: {  	v27 =	vsub.s32 $0x5F3759DF, v27  }
0x112: {  	v41 =	vmul.f32 v27, v40;
	_ =	sdelay $0x1  }
0x113: {  	v30 =	vmul.f32 v27, v41;
	_ =	sdelay $0x1  }
0x114: {  	v30 =	vsub.f32 $1.500000000e+00, v30  }
0x115: {  	v38 =	vimm.s32 $0x30  }
0x116: {  	v27 =	vmul.f32 v27, v30;
	_ =	sdelay $0x1  }
0x117: {  	v30 =	vmul.f32 v27, v40;
	_ =	sdelay $0x1  }
0x118: {  	v38 =	vld.idx.msk [tilespmem:v38+s9+$0x0], $0xffff;
	v30 =	vmul.f32 v30, v27  }
0x119: {  	v53 =	vld [tilespmem:$0x1FCD0]  }
0x11a: {  	v54 =	vld [tilespmem:$0x1FD20];
	v30 =	vsub.f32 $1.500000000e+00, v30  }
0x11b: {  	v56 =	vld [tilespmem:$0x1FD30];
	v48 =	vimm.s32 $0x28  }
0x11c: {  	v32 =	vld.msk [tilespmem:s9+$0x0], $0xffff;
	v35 =	vmul.f32 v30, v27  }
0x11d: {  	v49 =	vld [tilespmem:$0x1FFE0]  }
0x11e: {  	v42 =	vimm.s32 $0x4;
	v50 =	vld [tilespmem:$0x1FCF0];
	v30 =	vmul.f32 v35, v40  }
0x11f: {  	v31 =	vld.idx.msk [tilespmem:v37+s9+$0x0], $0xffff  }
0x120: {  	v46 =	vimm.s32 $0x13;
	v37 =	vld.idx.msk [tilespmem:v48+s9+$0x0], $0xffff;
	v43 =	vmul.f32 v30, v35  }
0x121: {  	v45 =	vimm.s32 $0x10;
	v51 =	vld [tilespmem:$0x1FD00]  }
0x122: {  	v58 =	vld [tilespmem:$0x1FD50];
	v27 =	vimm.s32 $0x3;
	v44 =	vsub.f32 $1.500000000e+00, v43  }
0x123: {  	v47 =	vimm.s32 $0x18;
	v28 =	vld.idx.msk [tilespmem:v42+s0+$0x0], $0xffff  }
0x124: {  	v9 =	vimm.s32 $0x20;
	v30 =	vld.idx.msk [tilespmem:v36+s9+$0x0], $0xffff;
	v36 =	vmul.f32 v44, v35  }
0x125: {  	v41 =	vld.idx.msk [tilespmem:v46+s9+$0x0], $0xffff  }
0x126: {  	v40 =	vld.idx.msk [tilespmem:v45+s9+$0x0], $0xffff;
	v34 =	vmul.f32 v36, v62  }
0x127: {  	v27 =	vld.idx.msk [tilespmem:v27+s0+$0x0], $0xffff  }
0x128: {  	v35 =	vld.idx.msk [tilespmem:v47+s9+$0x0], $0xffff;
	v34 =	vmul.f32 $5.000000000e-01, v34  }
0x129: {  	v36 =	vld.idx.msk [tilespmem:v9+s9+$0x0], $0xffff  }
0x12a: {  	v62 =	vld [tilespmem:$0x1FD90];
	[tilespmem:$0x200] =	vst v34  }
0x12b: {  	v42 =	vld.idx.msk [tilespmem:v49+s30+$0x0], $0xffff  }
0x12c: {  	v44 =	vld.idx.msk [tilespmem:v7+s9+$0x0], $0xffff  }
0x12d: {  	v45 =	vld.idx.msk [tilespmem:v10+s9+$0x0], $0xffff  }
0x12e: {  	v46 =	vld.idx.msk [tilespmem:v50+s9+$0x0], $0xffff  }
0x12f: {  	v34 =	vsub.f32 v33, v41;
	v41 =	vld.idx.msk [tilespmem:v51+s9+$0x0], $0xffff  }
0x130: {  	v47 =	vld.idx.msk [tilespmem:v0+s9+$0x0], $0xffff  }
0x131: {  	v49 =	vld.idx.msk [tilespmem:v4+s9+$0x0], $0xffff  }
0x132: {  	v50 =	vld.idx.msk [tilespmem:v13+s9+$0x0], $0xffff  }
0x133: {  	v33 =	vsub.f32 v33, v40;
	v57 =	vld.idx.msk [tilespmem:v15+s9+$0x0], $0xffff  }
0x134: {  	v51 =	vld [tilespmem:$0x1FD60];
	v48 =	vand.u32 $0x7FFFFFFF, v34  }
0x135: {  	v52 =	vand.u32 $0x7FFFFFFF, v33;
	v40 =	vsel vm0, v39, v42;
	v42 =	vsel vm1, v53, v48;
	v48 =	vld.idx.msk [tilespmem:v54+s9+$0x0], $0xffff  }
0x136: {  	v53 =	vld [tilespmem:$0x1FD80];
	v39 =	vsel vm2, v52, v42;
	v55 =	vmul.f32 v40, v44  }
0x137: {  	v44 =	vld.idx.msk [tilespmem:v56+s9+$0x0], $0xffff;
	v46 =	vmul.f32 v46, v39  }
0x138: {  	v47 =	vmul.f32 v40, v47;
	v52 =	vld.idx.msk [tilespmem:v17+s9+$0x0], $0xffff;
	v42 =	vadd.f32 v55, v45  }
0x139: {  	v41 =	vadd.f32 v41, v46;
	v46 =	vld.idx.msk [tilespmem:v58+s9+$0x0], $0xffff  }
0x13a: {  	v47 =	vadd.f32 v47, v49;
	v42 =	vsub.f32 $0.0e+00, v42;
	v48 =	vmul.f32 v48, v39  }
0x13b: {  	v59 =	vld.idx.msk [tilespmem:v18+s9+$0x0], $0xffff;
	v61 =	vmul.f32 v40, v50;
	v41 =	vsub.f32 $0.0e+00, v41  }
0x13c: {  	v51 =	vld.idx.msk [tilespmem:v51+s9+$0x0], $0xffff;
	v55 =	vsub.f32 $0.0e+00, v47;
	v42 =	vmul.f32 $1.442695020e+00, v42;
	v60 =	vadd.f32 v44, v48  }
0x13d: {  	v54 =	vld [tilespmem:$0x1FCE0];
	v56 =	vmul.f32 v52, v40;
	v44 =	vadd.f32 v61, v57;
	v41 =	vmul.f32 $1.442695020e+00, v41  }
0x13e: {  	v57 =	vld [tilespmem:$0x1FD10];
	(erf) = vpow2.f32 v42;
	v46 =	vmul.f32 v46, v39;
	v42 =	vsub.f32 $0.0e+00, v60  }
0x13f: {  	v53 =	vld.idx.msk [tilespmem:v53+s9+$0x0], $0xffff;
	(erf) = vpow2.f32 v41;
	v41 =	vmul.f32 $1.442695020e+00, v55  }
0x140: {  	v45 =	vadd.f32 v59, v56;
	v59 =	vld [tilespmem:$0x1FD40];
	v42 =	vmul.f32 $1.442695020e+00, v42  }
0x141: {  	v48 =	vld.idx.msk [tilespmem:v62+s9+$0x0], $0xffff;
	v46 =	vadd.f32 v51, v46;
	(erf) = vpow2.f32 v41  }
0x142: {  	v43 =	vld.idx.msk [tilespmem:v6+s9+$0x0], $0xffff;
	v44 =	vsub.f32 $0.0e+00, v44;
	(erf) = vpow2.f32 v42  }
0x143: {  	v47 =	vld.idx.msk [tilespmem:v11+s9+$0x0], $0xffff;
	v60 =	vsub.f32 $0.0e+00, v46  }
0x144: {  	v45 =	vsub.f32 $0.0e+00, v45;
	v55 =	vld [tilespmem:$0x1FD70];
	v62 =	vmul.f32 $1.442695020e+00, v44;
	v58 =	vmul.f32 v53, v39  }
0x145: {  	v50 =	vld.idx.msk [tilespmem:v54+s9+$0x0], $0xffff;
	v54 =	vmul.f32 $1.442695020e+00, v60  }
0x146: {  	v44 =	vld.idx.msk [tilespmem:v16+s9+$0x0], $0xffff;
	v56 =	vmul.f32 $1.442695020e+00, v45;
	(erf) = vpow2.f32 v62;
	v61 =	vadd.f32 v48, v58  }
0x147: {  	v52 =	vld.idx.msk [tilespmem:v57+s9+$0x0], $0xffff;
	(erf) = vpow2.f32 v54  }
0x148: {  	v49 =	vld.idx.msk [tilespmem:v59+s9+$0x0], $0xffff;
	(erf) = vpow2.f32 v56;
	v59 =	vpop (erf)  }
0x149: {  	v53 =	vld.idx.msk [tilespmem:v8+s9+$0x0], $0xffff;
	v60 =	vpop (erf)  }
0x14a: {  	v48 =	vld.idx.msk [tilespmem:v12+s9+$0x0], $0xffff;
	v46 =	vsub.f32 $0.0e+00, v61;
	v61 =	vpop (erf)  }
0x14b: {  	v54 =	vld [tilespmem:$0x1FDB0];
	v43 =	vmul.f32 v59, v43;
	v47 =	vmul.f32 v61, v47;
	v62 =	vpop (erf)  }
0x14c: {  	v51 =	vld.idx.msk [tilespmem:v55+s9+$0x0], $0xffff;
	v45 =	vmul.f32 v60, v50;
	v50 =	vmul.f32 v62, v52  }
0x14d: {  	v55 =	vld [tilespmem:$0x1FDC0];
	v43 =	vadd.f32 $0.0e+00, v43  }
0x14e: {  	v58 =	vld [tilespmem:$0x1FDA0];
	v45 =	vadd.f32 $0.0e+00, v45  }
0x14f: {  	v60 =	vld [tilespmem:$0x1FDE0];
	v43 =	vadd.f32 v43, v47;
	v47 =	vpop (erf)  }
0x150: {  	v57 =	vmul.f32 $1.442695020e+00, v46;
	v46 =	vld.idx.msk [tilespmem:v20+s9+$0x0], $0xffff;
	v45 =	vadd.f32 v50, v45;
	v50 =	vpop (erf)  }
0x151: {  	v61 =	vld [tilespmem:$0x1FDF0];
	v62 =	vpop (erf)  }
0x152: {  	(erf) = vpow2.f32 v57;
	v44 =	vmul.f32 v62, v44;
	v62 =	vld [tilespmem:$0x1FE10]  }
0x153: {  	v54 =	vld.idx.msk [tilespmem:v54+s9+$0x0], $0xffff  }
0x154: {  	v57 =	vld.idx.msk [tilespmem:v22+s9+$0x0], $0xffff  }
0x155: {  	v55 =	vld.idx.msk [tilespmem:v55+s9+$0x0], $0xffff  }
0x156: {  	v59 =	vld.idx.msk [tilespmem:v23+s9+$0x0], $0xffff  }
0x157: {  	v46 =	vmul.f32 v46, v40;
	v52 =	vld.idx.msk [tilespmem:v60+s9+$0x0], $0xffff;
	v60 =	vor.u32 $0x47, v14  }
0x158: {  	v42 =	vld.idx.msk [tilespmem:v58+s9+$0x0], $0xffff;
	v54 =	vmul.f32 v54, v39  }
0x159: {  	v56 =	vor.u32 $0x46, v14;
	v46 =	vadd.f32 v48, v46;
	v48 =	vld.idx.msk [tilespmem:v61+s9+$0x0], $0xffff  }
0x15a: {  	v61 =	vadd.s32 $0x57, v14;
	v54 =	vadd.f32 v55, v54;
	v55 =	vmul.f32 v57, v40;
	v57 =	vld.idx.msk [tilespmem:v62+s9+$0x0], $0xffff  }
0x15b: {  	v49 =	vmul.f32 v50, v49;
	v50 =	vpop (erf);
	v62 =	vld [tilespmem:$0x1FE40]  }
0x15c: {  	v50 =	vmul.f32 v50, v51;
	v51 =	vld.idx.msk [tilespmem:v60+s9+$0x0], $0xffff  }
0x15d: {  	v58 =	vadd.s32 $0x56, v14;
	v47 =	vmul.f32 v47, v53;
	v60 =	vld [tilespmem:$0x1FE20]  }
0x15e: {  	v56 =	vld.idx.msk [tilespmem:v56+s9+$0x0], $0xffff;
	v46 =	vsub.f32 $0.0e+00, v46  }
0x15f: {  	v43 =	vadd.f32 v43, v47;
	v47 =	vld.idx.msk [tilespmem:v61+s9+$0x0], $0xffff  }
0x160: {  	v46 =	vmul.f32 $1.442695020e+00, v46;
	v61 =	vld [tilespmem:$0x1FE50]  }
0x161: {  	v54 =	vsub.f32 $0.0e+00, v54;
	v55 =	vadd.f32 v59, v55  }
0x162: {  	v53 =	vld.idx.msk [tilespmem:v58+s9+$0x0], $0xffff;
	(erf) = vpow2.f32 v46;
	v46 =	vmul.f32 v52, v39  }
0x163: {  	v52 =	vmul.f32 $1.442695020e+00, v54;
	v54 =	vsub.f32 $0.0e+00, v55;
	v55 =	vmul.f32 v56, v40;
	v56 =	vld.idx.msk [tilespmem:v62+s9+$0x0], $0xffff  }
0x164: {  	v58 =	vor.u32 $0x48, v14;
	v62 =	vld [tilespmem:$0x1FE70]  }
0x165: {  	v59 =	vld.idx.msk [tilespmem:v60+s9+$0x0], $0xffff;
	v60 =	vadd.s32 $0x58, v14;
	_ =	sdelay $0x2  }
0x166: {  	v46 =	vadd.f32 v48, v46;
	v48 =	vmul.f32 v57, v39;
	v57 =	vld.idx.msk [tilespmem:v61+s9+$0x0], $0xffff;
	v61 =	vor.u32 $0x49, v14  }
0x167: {  	v53 =	vadd.f32 v53, v55;
	v55 =	vld.idx.msk [tilespmem:v58+s9+$0x0], $0xffff  }
0x168: {  	v51 =	vmul.f32 v51, v40;
	v58 =	vld.idx.msk [tilespmem:v60+s9+$0x0], $0xffff  }
0x169: {  	v60 =	vld [tilespmem:$0x1FE80]  }
0x16a: {  	v47 =	vadd.f32 v47, v51;
	v51 =	vld.idx.msk [tilespmem:v62+s9+$0x0], $0xffff  }
0x16b: {  	v62 =	vmul.f32 v56, v39;
	v56 =	vld.idx.msk [tilespmem:v61+s9+$0x0], $0xffff  }
0x16c: {  	v61 =	vld [tilespmem:$0x1FEA0]  }
0x16d: {  	v46 =	vsub.f32 $0.0e+00, v46;
	v48 =	vadd.f32 v59, v48  }
0x16e: {  	v54 =	vmul.f32 $1.442695020e+00, v54;
	(erf) = vpow2.f32 v52;
	v52 =	vsub.f32 $0.0e+00, v53  }
0x16f: {  	v46 =	vmul.f32 $1.442695020e+00, v46;
	v48 =	vsub.f32 $0.0e+00, v48  }
0x170: {  	(erf) = vpow2.f32 v54;
	v52 =	vmul.f32 $1.442695020e+00, v52  }
0x171: {  	(erf) = vpow2.f32 v46;
	v53 =	vld.idx.msk [tilespmem:v60+s9+$0x0], $0xffff;
	v60 =	vmul.f32 $1.442695020e+00, v48  }
0x172: {  	(erf) = vpow2.f32 v52;
	v62 =	vadd.f32 v57, v62  }
0x173: {  	(erf) = vpow2.f32 v60;
	v60 =	vld [tilespmem:$0x1FEB0]  }
0x174: {  	v47 =	vsub.f32 $0.0e+00, v47;
	v48 =	vld.idx.msk [tilespmem:v61+s9+$0x0], $0xffff;
	v61 =	vsub.f32 $0.0e+00, v62;
	v62 =	vmul.f32 v51, v39;
	_ =	sdelay $0x1  }
0x175: {  	v45 =	vadd.f32 v49, v45;
	v47 =	vmul.f32 $1.442695020e+00, v47;
	v49 =	vadd.f32 v53, v62;
	_ =	sdelay $0x1  }
0x176: {  	(erf) = vpow2.f32 v47;
	v47 =	vmul.f32 $1.442695020e+00, v61;
	v61 =	vld [tilespmem:$0x1FE00];
	v62 =	vsub.f32 $0.0e+00, v49;
	_ =	sdelay $0x1  }
0x177: {  	v59 =	vadd.s32 $0x59, v14;
	(erf) = vpow2.f32 v47;
	v47 =	vmul.f32 $1.442695020e+00, v62;
	v62 =	vld [tilespmem:$0x1FE60]  }
0x178: {  	v54 =	vmul.f32 v55, v40;
	v55 =	vld.idx.msk [tilespmem:v60+s9+$0x0], $0xffff  }
0x179: {  	v60 =	vld [tilespmem:$0x1FDD0];
	_ =	sdelay $0x1  }
0x17a: {  	v41 =	vld.idx.msk [tilespmem:v19+s9+$0x0], $0xffff  }
0x17b: {  	v52 =	vld.idx.msk [tilespmem:v59+s9+$0x0], $0xffff;
	v54 =	vadd.f32 v58, v54  }
0x17c: {  	v53 =	vld.idx.msk [tilespmem:v61+s9+$0x0], $0xffff  }
0x17d: {  	v54 =	vsub.f32 $0.0e+00, v54;
	v61 =	vld [tilespmem:$0x1FE30]  }
0x17e: {  	v43 =	vadd.f32 v43, v44;
	v59 =	vadd.s32 $0x68, v14;
	v56 =	vmul.f32 v56, v40;
	v44 =	vld.idx.msk [tilespmem:v62+s9+$0x0], $0xffff  }
0x17f: {  	v54 =	vmul.f32 $1.442695020e+00, v54;
	v62 =	vld [tilespmem:$0x1FE90]  }
0x180: {  	v52 =	vadd.f32 v52, v56;
	v48 =	vmul.f32 v48, v39;
	v51 =	vld.idx.msk [tilespmem:v60+s9+$0x0], $0xffff;
	v60 =	vadd.s32 $0x69, v14;
	_ =	sdelay $0x1  }
0x181: {  	v58 =	vld.idx.msk [tilespmem:v24+s9+$0x0], $0xffff;
	v52 =	vsub.f32 $0.0e+00, v52;
	v48 =	vadd.f32 v55, v48  }
0x182: {  	v56 =	vld.idx.msk [tilespmem:v59+s9+$0x0], $0xffff;
	v59 =	vadd.s32 $0x5A, v14  }
0x183: {  	v57 =	vld.idx.msk [tilespmem:v21+s9+$0x0], $0xffff;
	v52 =	vmul.f32 $1.442695020e+00, v52;
	(erf) = vpow2.f32 v54;
	v54 =	vpop (erf);
	v48 =	vsub.f32 $0.0e+00, v48  }
0x184: {  	v41 =	vmul.f32 v54, v41;
	(erf) = vpow2.f32 v47;
	v47 =	vld.idx.msk [tilespmem:v60+s9+$0x0], $0xffff  }
0x185: {  	v45 =	vadd.f32 v50, v45;
	v55 =	vor.u32 $0x4A, v14;
	v48 =	vmul.f32 $1.442695020e+00, v48;
	v49 =	vld.idx.msk [tilespmem:v61+s9+$0x0], $0xffff;
	v61 =	vpop (erf)  }
0x186: {  	v41 =	vadd.f32 v41, v43;
	(erf) = vpow2.f32 v52;
	v42 =	vmul.f32 v61, v42;
	v60 =	vpop (erf);
	v52 =	vld.idx.msk [tilespmem:v62+s9+$0x0], $0xffff  }
0x187: {  	v46 =	vadd.s32 $0x67, v14;
	(erf) = vpow2.f32 v48;
	v61 =	vpop (erf);
	v62 =	vld [tilespmem:$0x1FED0]  }
0x188: {  	v43 =	vmul.f32 v60, v57;
	v57 =	vld.idx.msk [tilespmem:v59+s9+$0x0], $0xffff;
	v42 =	vadd.f32 v42, v45;
	v45 =	vmul.f32 v61, v51  }
0x189: {  	v54 =	vor.u32 $0x4B, v14;
	v59 =	vmul.f32 v27, v27;
	v60 =	vmul.f32 v28, v28;
	v50 =	vpop (erf);
	v61 =	vld [tilespmem:$0x1FEE0]  }
0x18a: {  	v48 =	vld.idx.msk [tilespmem:v55+s9+$0x0], $0xffff;
	v55 =	vadd.s32 $0x5B, v14;
	v43 =	vadd.f32 v43, v41;
	v41 =	vpop (erf);
	v42 =	vadd.f32 v45, v42  }
0x18b: {  	v45 =	vmul.f32 v50, v58;
	v50 =	vmul.f32 v41, v53;
	v41 =	vadd.f32 v60, v59;
	v60 =	vld [tilespmem:$0x1FF00]  }
0x18c: {  	v46 =	vld.idx.msk [tilespmem:v46+s9+$0x0], $0xffff;
	_ =	sdelay $0x1  }
0x18d: {  	v54 =	vld.idx.msk [tilespmem:v54+s9+$0x0], $0xffff;
	v53 =	vpop (erf)  }
0x18e: {  	v58 =	vpop (erf);
	v51 =	vld.idx.msk [tilespmem:v62+s9+$0x0], $0xffff;
	v62 =	vor.u32 $0x4C, v14  }
0x18f: {  	v55 =	vld.idx.msk [tilespmem:v55+s9+$0x0], $0xffff;
	v43 =	vadd.f32 v45, v43;
	v45 =	vpop (erf)  }
0x190: {  	v46 =	vmul.f32 v53, v46;
	v53 =	vpop (erf);
	v61 =	vld.idx.msk [tilespmem:v61+s9+$0x0], $0xffff  }
0x191: {  	v48 =	vmul.f32 v48, v40;
	v44 =	vmul.f32 v53, v44;
	v53 =	vld [tilespmem:$0x1FF30]  }
0x192: {  	v42 =	vadd.f32 v50, v42;
	v50 =	vld.idx.msk [tilespmem:v60+s9+$0x0], $0xffff  }
0x193: {  	v48 =	vadd.f32 v57, v48;
	v57 =	vld.idx.msk [tilespmem:v62+s9+$0x0], $0xffff;
	v62 =	vadd.s32 $0x5D, v14  }
0x194: {  	v60 =	vld [tilespmem:$0x1FF10];
	v51 =	vmul.f32 v51, v39  }
0x195: {  	v59 =	vadd.s32 $0x5C, v14  }
0x196: {  	v54 =	vmul.f32 v54, v40;
	v51 =	vadd.f32 v61, v51;
	v61 =	vld [tilespmem:$0x1FF40];
	_ =	sdelay $0x1  }
0x197: {  	v45 =	vmul.f32 v45, v56;
	v56 =	vpop (erf);
	v54 =	vadd.f32 v55, v54;
	v55 =	vmul.f32 v57, v40;
	v57 =	vld.idx.msk [tilespmem:v62+s9+$0x0], $0xffff  }
0x198: {  	v43 =	vadd.f32 v46, v43;
	v46 =	vpop (erf);
	v62 =	vld [tilespmem:$0x1FF60]  }
0x199: {  	v46 =	vmul.f32 v46, v52;
	v52 =	vld.idx.msk [tilespmem:v59+s9+$0x0], $0xffff  }
0x19a: {  	v53 =	vld.idx.msk [tilespmem:v53+s9+$0x0], $0xffff  }
0x19b: {  	v49 =	vmul.f32 v58, v49;
	v58 =	vld.idx.msk [tilespmem:v60+s9+$0x0], $0xffff  }
0x19c: {  	v60 =	vor.u32 $0x4D, v14  }
0x19d: {  	v48 =	vsub.f32 $0.0e+00, v48;
	v47 =	vmul.f32 v56, v47;
	v59 =	vor.u32 $0x4E, v14;
	v56 =	vld.idx.msk [tilespmem:v61+s9+$0x0], $0xffff  }
0x19e: {  	v50 =	vmul.f32 v50, v39;
	v61 =	vadd.s32 $0x5E, v14  }
0x19f: {  	v48 =	vmul.f32 $1.442695020e+00, v48;
	v51 =	vsub.f32 $0.0e+00, v51;
	v52 =	vadd.f32 v52, v55;
	v55 =	vld [tilespmem:$0x1FF70]  }
0x1a0: {  	v53 =	vmul.f32 v53, v39;
	v50 =	vadd.f32 v58, v50;
	v58 =	vld.idx.msk [tilespmem:v62+s9+$0x0], $0xffff;
	v62 =	vor.u32 $0x4F, v14  }
0x1a1: {  	v54 =	vsub.f32 $0.0e+00, v54;
	(erf) = vpow2.f32 v48;
	v60 =	vld.idx.msk [tilespmem:v60+s9+$0x0], $0xffff  }
0x1a2: {  	v51 =	vmul.f32 $1.442695020e+00, v51;
	v50 =	vsub.f32 $0.0e+00, v50;
	v53 =	vadd.f32 v56, v53;
	v56 =	vld.idx.msk [tilespmem:v59+s9+$0x0], $0xffff  }
0x1a3: {  	v48 =	vmul.f32 $1.442695020e+00, v54;
	v52 =	vsub.f32 $0.0e+00, v52;
	v59 =	vadd.s32 $0x5F, v14;
	v54 =	vld.idx.msk [tilespmem:v61+s9+$0x0], $0xffff  }
0x1a4: {  	(erf) = vpow2.f32 v51;
	v50 =	vmul.f32 $1.442695020e+00, v50;
	v61 =	vld [tilespmem:$0x1FF90]  }
0x1a5: {  	v42 =	vadd.f32 v49, v42;
	(erf) = vpow2.f32 v48;
	v52 =	vmul.f32 $1.442695020e+00, v52;
	v49 =	vld.idx.msk [tilespmem:v62+s9+$0x0], $0xffff  }
0x1a6: {  	(erf) = vpow2.f32 v50;
	v62 =	vld [tilespmem:$0x1FFA0]  }
0x1a7: {  	(erf) = vpow2.f32 v52;
	v52 =	vmul.f32 v60, v40;
	v60 =	vld [tilespmem:$0x1FFC0]  }
0x1a8: {  	v48 =	vld.idx.msk [tilespmem:v59+s9+$0x0], $0xffff  }
0x1a9: {  	v59 =	vmul.f32 v58, v39;
	v58 =	vld [tilespmem:$0x1FFD0]  }
0x1aa: {  	v51 =	vsub.f32 $0.0e+00, v53  }
0x1ab: {  	v55 =	vld.idx.msk [tilespmem:v55+s9+$0x0], $0xffff  }
0x1ac: {  	v43 =	vadd.f32 v45, v43;
	v53 =	vld.idx.msk [tilespmem:v61+s9+$0x0], $0xffff;
	v61 =	vmul.f32 $1.442695020e+00, v51  }
0x1ad: {  	v42 =	vadd.f32 v44, v42;
	v44 =	vadd.f32 v57, v52;
	v57 =	vadd.s32 $0x6A, v14  }
0x1ae: {  	(erf) = vpow2.f32 v61;
	v61 =	vmul.f32 v56, v40;
	v50 =	vld.idx.msk [tilespmem:v62+s9+$0x0], $0xffff  }
0x1af: {  	v43 =	vadd.f32 v47, v43;
	v47 =	vld.idx.msk [tilespmem:v60+s9+$0x0], $0xffff  }
0x1b0: {  	v44 =	vsub.f32 $0.0e+00, v44;
	v60 =	vadd.s32 $0x6C, v14;
	v51 =	vadd.f32 v54, v61;
	v61 =	vld [tilespmem:$0x1FEC0]  }
0x1b1: {  	v45 =	vadd.f32 v55, v59;
	v40 =	vmul.f32 v49, v40;
	v62 =	vmul.f32 v53, v39;
	v49 =	vld.idx.msk [tilespmem:v58+s9+$0x0], $0xffff  }
0x1b2: {  	v53 =	vld.idx.msk [tilespmem:v57+s9+$0x0], $0xffff  }
0x1b3: {  	v44 =	vmul.f32 $1.442695020e+00, v44;
	v45 =	vsub.f32 $0.0e+00, v45;
	v57 =	vld [tilespmem:$0x1FEF0];
	v50 =	vadd.f32 v50, v62  }
0x1b4: {  	v42 =	vadd.f32 v46, v42;
	v59 =	vadd.s32 $0x6B, v14;
	v51 =	vsub.f32 $0.0e+00, v51  }
0x1b5: {  	v45 =	vmul.f32 $1.442695020e+00, v45;
	(erf) = vpow2.f32 v44;
	v46 =	vld.idx.msk [tilespmem:v60+s9+$0x0], $0xffff;
	v50 =	vsub.f32 $0.0e+00, v50  }
0x1b6: {  	v39 =	vmul.f32 v47, v39;
	v60 =	vld [tilespmem:$0x1FF20];
	v62 =	vmul.f32 $1.442695020e+00, v51  }
0x1b7: {  	(erf) = vpow2.f32 v45;
	v56 =	vmul.f32 $1.442695020e+00, v50  }
0x1b8: {  	v40 =	vadd.f32 v48, v40;
	v39 =	vadd.f32 v49, v39;
	(erf) = vpow2.f32 v62;
	v49 =	vld.idx.msk [tilespmem:v61+s9+$0x0], $0xffff  }
0x1b9: {  	v58 =	vpop (erf);
	(erf) = vpow2.f32 v56;
	v56 =	vld [tilespmem:$0x1FF50]  }
0x1ba: {  	v52 =	vadd.s32 $0x6E, v14;
	v40 =	vsub.f32 $0.0e+00, v40;
	v51 =	vld.idx.msk [tilespmem:v59+s9+$0x0], $0xffff  }
0x1bb: {  	v54 =	vmax.f32 v41, $1.000000000e-30;
	v44 =	vmul.f32 v58, v53;
	v39 =	vsub.f32 $0.0e+00, v39;
	v50 =	vld.idx.msk [tilespmem:v57+s9+$0x0], $0xffff  }
0x1bc: {  	v47 =	vadd.s32 $0x6D, v14;
	v40 =	vmul.f32 $1.442695020e+00, v40;
	v61 =	vshra.s32 v54, $0x1  }
0x1bd: {  	v59 =	vpop (erf);
	v43 =	vadd.f32 v44, v43;
	v44 =	vmul.f32 $5.000000000e-01, v54;
	v39 =	vmul.f32 $1.442695020e+00, v39  }
0x1be: {  	v62 =	vpop (erf);
	v48 =	vld.idx.msk [tilespmem:v60+s9+$0x0], $0xffff;
	(erf) = vpow2.f32 v40;
	v40 =	vsub.s32 $0x5F3759DF, v61;
	v45 =	vmul.f32 v59, v49  }
0x1bf: {  	v53 =	vadd.s32 $0x6F, v14;
	v55 =	vpop (erf);
	v60 =	vld [tilespmem:$0x1FF80];
	v49 =	vmul.f32 v62, v51;
	v59 =	vmul.f32 v40, v44  }
0x1c0: {  	(erf) = vpow2.f32 v39;
	v39 =	vmul.f32 v55, v50;
	v50 =	vld.idx.msk [tilespmem:v52+s9+$0x0], $0xffff  }
0x1c1: {  	v43 =	vadd.f32 v49, v43;
	v49 =	vmul.f32 v40, v59;
	v51 =	vld.idx.msk [tilespmem:v56+s9+$0x0], $0xffff  }
0x1c2: {  	v57 =	vpop (erf);
	v56 =	vld [tilespmem:$0x1FFB0]  }
0x1c3: {  	v47 =	vld.idx.msk [tilespmem:v47+s9+$0x0], $0xffff;
	v58 =	vpop (erf);
	v49 =	vsub.f32 $1.500000000e+00, v49  }
0x1c4: {  	v62 =	vpop (erf);
	v52 =	vld.idx.msk [tilespmem:v53+s9+$0x0], $0xffff;
	v42 =	vadd.f32 v45, v42;
	v61 =	vmul.f32 v58, v48  }
0x1c5: {  	v55 =	vpop (erf);
	v45 =	vmul.f32 v57, v46;
	v40 =	vmul.f32 v40, v49  }
0x1c6: {  	v58 =	vpop (erf);
	v39 =	vadd.f32 v39, v42  }
0x1c7: {  	v43 =	vadd.f32 v45, v43;
	v45 =	vmul.f32 v58, v50;
	v59 =	vpop (erf);
	v50 =	vmul.f32 v40, v44  }
0x1c8: {  	v35 =	vsel vm0, v35, v36;
	v47 =	vmul.f32 v62, v47;
	v46 =	vld.idx.msk [tilespmem:v60+s9+$0x0], $0xffff;
	v39 =	vadd.f32 v61, v39;
	v61 =	vpop (erf)  }
0x1c9: {  	vm8 =	vlt.f32 v33, $0.0e+00;
	v49 =	vmul.f32 v61, v52;
	v52 =	vmul.f32 v50, v40  }
0x1ca: {  	vm15 =	vlt.f32 v34, $0.0e+00;
	vm12 =	vgt.f32 v34, $0.0e+00;
	v43 =	vadd.f32 v47, v43;
	v48 =	vld.idx.msk [tilespmem:v56+s9+$0x0], $0xffff  }
0x1cb: {  	v57 =	vmul.f32 v55, v51;
	v51 =	vsel vm3, v37, v38;
	v37 =	vsub.f32 $1.500000000e+00, v52  }
0x1cc: {  	vm13 =	vgt.f32 v33, $0.0e+00;
	vm9 =	vmor vm12, vm15;
	v43 =	vadd.f32 v45, v43  }
0x1cd: {  	v60 =	vmul.f32 v59, v46;
	v39 =	vadd.f32 v57, v39;
	v57 =	vmul.f32 v37, v40  }
0x1ce: {  	vm8 =	vmor vm13, vm8;
	(erf) = vrcp.f32 v32;
	v62 =	vpop (erf);
	v42 =	vadd.f32 v49, v43  }
0x1cf: {  	v39 =	vadd.f32 v60, v39;
	v37 =	vmul.f32 v57, v44;
	v45 =	vmul.f32 v62, v48  }
0x1d0: {  	v53 =	vlaneseq.u32;
	v35 =	vadd.f32 v42, v35;
	v56 =	vand.u32 $0x80000000, v34  }
0x1d1: {  	v42 =	vor.u32 v56, v63;
	v37 =	vmul.f32 v37, v57;
	v39 =	vadd.f32 v45, v39  }
0x1d2: {  	v38 =	vor.u32 $0x18, v53;
	v55 =	vand.u32 $0x80000000, v33;
	v34 =	vsel vm9, v42, v34  }
0x1d3: {  	v37 =	vsub.f32 $1.500000000e+00, v37;
	v36 =	vadd.f32 v39, v51;
	v39 =	vor.u32 v55, v63  }
0x1d4: {  	v59 =	vimm.s32 $0x22;
	v34 =	vsel vm1, $0x3F800000, v34;
	v33 =	vsel vm8, v39, v33  }
0x1d5: {  	v60 =	vmul.f32 v37, v57;
	v33 =	vsel vm2, v33, v34  }
0x1d6: {  	v33 =	vmul.f32 v36, v33  }
0x1d7: {  	[tilespmem:$0x210] =	vst v35;
	v61 =	vmul.f32 v60, v54  }
0x1d8: {  	v26 =	vmul.f32 v29, v26;
	v58 =	vld.idx.msk [tilespmem:v38+s30+$0x0], $0xffff;
	[tilespmem:$0x220] =	vst v33  }
0x1d9: {  	v25 =	vmul.f32 v29, v25;
	v29 =	vmul.f32 v61, v30;
	v33 =	vld.idx.msk [tilespmem:v59+s30+$0x0], $0xffff;
	_ =	sdelay $0x1  }
0x1da: {  	v29 =	vsub.f32 v29, v27  }
0x1db: {  	v53 =	vpop (erf);
	v45 =	vimm.s32 $0x21  }
0x1dc: {  	v31 =	vmul.f32 v31, v31;
	v50 =	vsub.f32 $0.0e+00, v28;
	v29 =	vmul.f32 v29, v53  }
0x1dd: {  	v44 =	vmax.f32 v41, $1.000000020e-16;
	v33 =	vmul.f32 v35, v33  }
0x1de: {  	v38 =	vmul.f32 v53, v50;
	v31 =	vmul.f32 v31, v44;
	v29 =	vnsel vm2, $0x0, v29  }
0x1df: {  	v57 =	vmul.f32 v29, v29;
	v62 =	vmul.f32 v33, v26  }
0x1e0: {  	v35 =	vld.idx.msk [tilespmem:v45+s30+$0x0], $0xffff;
	v33 =	vmul.f32 v33, v25;
	v26 =	vmul.f32 v58, v26  }
0x1e1: {  	v46 =	vld.idx.msk [tilespmem:v9+s30+$0x0], $0xffff;
	v25 =	vmul.f32 v58, v25;
	v47 =	vmul.f32 v62, v62  }
0x1e2: {  	v48 =	vmul.f32 v33, v33;
	v49 =	vmul.f32 v62, v27  }
0x1e3: {  	v51 =	vmul.f32 v33, v28;
	v52 =	vmul.f32 v26, v27  }
0x1e4: {  	v54 =	vmul.f32 v25, v28;
	v55 =	vmul.f32 v26, v26  }
0x1e5: {  	v56 =	vmul.f32 v25, v25;
	v27 =	vmul.f32 v29, v27;
	v35 =	vsel vm4, $0x0, v35  }
0x1e6: {  	v30 =	vadd.f32 v48, v47;
	v35 =	vsel vm1, v35, v46;
	v37 =	vadd.f32 v51, v49  }
0x1e7: {  	v34 =	vadd.f32 v54, v52;
	v36 =	vadd.f32 v56, v55;
	v35 =	vsel vm2, v38, v35  }
0x1e8: {  	v58 =	vmul.f32 v35, v35;
	v30 =	vmax.f32 v30, $1.000000020e-16;
	v37 =	vmul.f32 v37, v37  }
0x1e9: {  	v36 =	vmax.f32 v36, $1.000000020e-16;
	v28 =	vmul.f32 v35, v28;
	v30 =	vmul.f32 v30, v31  }
0x1ea: {  	v34 =	vmul.f32 v34, v34;
	v36 =	vmul.f32 v36, v31;
	v38 =	vadd.f32 v58, v57  }
0x1eb: {  	v27 =	vadd.f32 v28, v27;
	vm8 =	vgt.f32 v37, v30  }
0x1ec: {  	vm14 =	vgt.f32 v34, v36;
	v59 =	vmax.f32 v38, $1.000000020e-16;
	v30 =	vnsel vm8, $0x0, v62  }
0x1ed: {  	v26 =	vnsel vm14, $0x0, v26;
	v27 =	vmul.f32 v27, v27;
	v28 =	vmul.f32 v59, v31  }
0x1ee: {  	v60 =	vnsel vm8, $0x0, v33;
	v25 =	vnsel vm14, $0x0, v25;
	v26 =	vadd.f32 v30, v26  }
0x1ef: {  	v25 =	vadd.f32 v60, v25;
	vm8 =	vgt.f32 v27, v28  }
0x1f0: {  	(xrf2) =	vadd.scan.msk.f32 $0xffff, v26;
	vm15 =	vmand vm8, vm2  }
0x1f1: {  	(xrf2) =	vadd.scan.msk.f32 $0xffff, v25;
	v25 =	vnsel vm15, $0x0, v29  }
0x1f2: {  	vm8 =	vmand vm8, vm5;
	(xrf2) =	vadd.scan.msk.f32 $0xffff, v25;
	v25 =	vnsel vm15, $0x0, v35  }
0x1f3: {  	(xrf2) =	vadd.scan.msk.f32 $0xffff, v25;
	v25 =	vnsel vm8, $0x0, v35  }
0x1f4: {  	(xrf2) =	vadd.scan.msk.f32 $0xffff, v25;
	_ =	sdelay $0x5  }
0x1f5: {  	v25, _, _ =	vpop (xrf2)  }
0x1f6: {  	v26, _, _ =	vpop (xrf2)  }
0x1f7: {  	v27, _, _ =	vpop (xrf2)  }
0x1f8: {  	v61, _, _ =	vpop (xrf2)  }
0x1f9: {  	v62, _, _ =	vpop (xrf2)  }
0x1fa: {  	v29 =	vbroadcast v62, $0xF  }
0x1fb: {  	v26 =	vbroadcast v26, $0xF  }
0x1fc: {  	v25 =	vbroadcast v25, $0xF;
	v29 =	vnsel vm6, $0x0, v29  }
0x1fd: {  	v28 =	vbroadcast v61, $0xF;
	v26 =	vsel vm7, v29, v26  }
0x1fe: {  	v25 =	vsel vm4, v26, v25;
	v26 =	vbroadcast v27, $0xF  }
0x1ff: {  	v25 =	vsel vm1, v25, v28  }
0x200: {  	p0 =	sne.s32 s7, $0x1;
	v25 =	vsel vm5, v25, v26  }
.Ltmp0:
0x201: {  	[tilespmem:$0x280] =	vst v25;
	(pc) =	sbr.rel @p0 .LBB3_1-.Ltmp0, $4  }
0x202: {  	[hbm4b:s6+s0] =	stream.linear.scatter [tilespmem:s31], [sflag:$0x2], $0x80, $0x38;
	[tilespmem:$0x300] =	vst v63  }
0x203: {  	_ =	swait.ge [sflag:s1], $0x80  }
0x204: {  	[sflag:s1] =	ssyncset.done $0x0  }
0x205: {  	s7 =	sadd.s32 $0xFFFFFFFF, s7;
	[sflag:s1] =	ssyncadd.s32 $0xFFFFFF80  }
0x206: {  	_ =	sfence.sel $0x180000  }
0x207: {  	[bflag:$0x0] =	sbarrier.arrive $0xFFFF  }
0x208: {  	_ =	strace $0x90000047  }
0x209: {  	s0 =	stileid.u32;
	[bflag:$0x2] =	sbarrier.arrive $0xFFFF  }
0x20a: {  	p0 =	sne.s32 s0, $0x0;
	s0 =	sld [smem:$0x7FD];
	_ =	sdelay $0x2  }
0x20b: {  	s0 =	sadd.s32 @!p0 $0x100000, s0  }
0x20c: {  	[sflag:s0] =	ssyncadd.tile.s32 @!p0 $0x1;
	_ =	shalt  }
.Lfunc_end3:
_tile_overlayer_lowered:
.L_overlay_start_3:
0x20d: {  	(tag) =	ssettag $0x3  }
0x20e: {  	s0 =	rddreg [dreg:$0x0];
	s2 =	stileid.u32  }
0x20f: {  	s1 =	rddreg [dreg:$0x1];
	p0 =	sne.s32 s2, $0x0  }
0x210: {  	s3 =	rddreg [dreg:$0x2];
	[bflag:$0x3] =	sbarrier.arrive $0xFFFF;
	s2 =	simm.s32 @!p0 $0x1C02  }
0x211: {  	[timem:s3], [sflag:s2] =	dma.local @!p0 [hbm:s0], s1  }
0x212: {  	s0 =	simm.s32 @!p0 $0x2  }
0x213: {  	_ =	swait.ge @!p0 [sflag:s0], s1  }
0x214: {  	s1 =	ssub.s32 @!p0 $0x0, s1;
	[sflag:s0] =	ssyncset.done @!p0 $0x0  }
0x215: {  	[sflag:s0] =	ssyncadd.s32 @!p0 s1  }
0x216: {  	[bflag:$0x3] =	sbarrier.arrive $0xFFFF  }
0x217: {  	_ =	shalt  }

</sc_bundles>
